<compile_context>
chip_gen: v7x
topology: tpu7x:2x2x1
jax: 0.10.2.dev20260603
libtpu: 0.0.44.dev20260713+nightly
codegen_flags: <defaults>
</compile_context>

<pallas_src>
import functools

import jax
import jax.numpy as jnp
from jax import lax
from jax.experimental import pallas as pl
from jax.experimental.pallas import tpu as pltpu
from jax.experimental.pallas import tpu_sc as plsc

N = 10000
E = 320000
NC = 2
NS = 16
NW = NC * NS
EDGES_PER_TILE = E // NW
CHUNK = 80
NCHUNK = 125
EPT_PAD = NCHUNK * CHUNK
NPAD = 10240
ROWS_PER_TILE = NPAD // NS
ZROWS = 32
LANES = 16



def _mm_body(x_ref, w_ref, o_ref):
    o_ref[...] = jnp.dot(x_ref[...], w_ref[...],
                         preferred_element_type=jnp.float32)


def _matmul(x, w, blk=1000):
    n, k = x.shape
    m = w.shape[1]
    return pl.pallas_call(
        _mm_body,
        grid=(n // blk,),
        in_specs=[pl.BlockSpec((blk, k), lambda i: (i, 0)),
                  pl.BlockSpec((k, m), lambda i: (0, 0))],
        out_specs=pl.BlockSpec((blk, m), lambda i: (i, 0)),
        out_shape=jax.ShapeDtypeStruct((n, m), jnp.float32),
    )(x, w)


def _relu_add_body(p_ref, o_ref):
    o_ref[...] = jnp.maximum(p_ref[0] + p_ref[1], 0.0)


def _relu_add(p, blk=1000):
    _, _, k = p.shape
    n = N
    return pl.pallas_call(
        _relu_add_body,
        grid=(n // blk,),
        in_specs=[pl.BlockSpec((2, blk, k), lambda i: (0, i, 0))],
        out_specs=pl.BlockSpec((blk, k), lambda i: (i, 0)),
        out_shape=jax.ShapeDtypeStruct((n, k), jnp.float32),
    )(p)


def _add_mm_body(q_ref, w_ref, o_ref):
    o_ref[...] = jnp.dot(q_ref[0] + q_ref[1], w_ref[...],
                         preferred_element_type=jnp.float32)


def _add_mm(q, w, blk=1000):
    _, _, k = q.shape
    n = N
    m = w.shape[1]
    return pl.pallas_call(
        _add_mm_body,
        grid=(n // blk,),
        in_specs=[pl.BlockSpec((2, blk, k), lambda i: (0, i, 0)),
                  pl.BlockSpec((k, m), lambda i: (0, 0))],
        out_specs=pl.BlockSpec((blk, m), lambda i: (i, 0)),
        out_shape=jax.ShapeDtypeStruct((n, m), jnp.float32),
    )(q, w)



def _make_agg(F):
    mesh = plsc.VectorSubcoreMesh(core_axis_name="c", subcore_axis_name="s")
    f_vecs = F // LANES

    @functools.partial(
        pl.kernel,
        out_type=jax.ShapeDtypeStruct((NC, NPAD, F), jnp.float32),
        mesh=mesh,
        scratch_types=[
            pltpu.VMEM((CHUNK,), jnp.int32),
            pltpu.VMEM((CHUNK,), jnp.int32),
            pltpu.VMEM((CHUNK,), jnp.int32),
            pltpu.VMEM((CHUNK,), jnp.int32),
            pltpu.VMEM((CHUNK, F), jnp.float32),
            pltpu.VMEM((CHUNK, F), jnp.float32),
            pltpu.VMEM((ZROWS, F), jnp.float32),
            pltpu.VMEM_SHARED((NPAD, F), jnp.float32),
            pltpu.SemaphoreType.DMA,
            pltpu.SemaphoreType.DMA,
            pltpu.SemaphoreType.DMA,
            pltpu.SemaphoreType.DMA,
            pltpu.SemaphoreType.DMA,
            pltpu.SemaphoreType.DMA,
        ],
    )
    def agg(table_hbm, src_hbm, dst_hbm, out_hbm,
            src_a, dst_a, src_b, dst_b, rows_a, rows_b, zbuf, acc,
            sg_a, sg_b, ss_a, ss_b, si_a, si_b):
        cid = lax.axis_index("c")
        sid = lax.axis_index("s")
        wid = cid * NS + sid

        zero = jnp.zeros((LANES,), jnp.float32)

        def zbody(t, carry):
            zbuf[t // f_vecs, pl.ds((t % f_vecs) * LANES, LANES)] = zero
            return carry

        lax.fori_loop(0, ZROWS * f_vecs, zbody, 0)

        def zcopy(i, carry):
            pltpu.async_copy(
                zbuf, acc.at[pl.ds(sid * ROWS_PER_TILE + i * ZROWS, ZROWS)],
                si_a)
            return carry

        lax.fori_loop(0, ROWS_PER_TILE // ZROWS, zcopy, 0)

        def zwait(i, carry):
            pltpu.make_async_copy(
                zbuf, acc.at[pl.ds(sid * ROWS_PER_TILE, ZROWS)], si_a).wait()
            return carry

        lax.fori_loop(0, ROWS_PER_TILE // ZROWS, zwait, 0)
        plsc.subcore_barrier()

        tile_base = wid * EPT_PAD
        last = NCHUNK - 1

        def sbase(k):
            return tile_base + jnp.minimum(k, last) * CHUNK

        pltpu.async_copy(src_hbm.at[pl.ds(sbase(0), CHUNK)], src_a, si_a)
        pltpu.async_copy(dst_hbm.at[pl.ds(sbase(0), CHUNK)], dst_a, si_a)
        pltpu.async_copy(src_hbm.at[pl.ds(sbase(1), CHUNK)], src_b, si_b)
        pltpu.make_async_copy(src_hbm.at[pl.ds(0, CHUNK)], src_a, si_a).wait()
        pltpu.make_async_copy(dst_hbm.at[pl.ds(0, CHUNK)], dst_a, si_a).wait()
        pltpu.async_copy(table_hbm.at[src_a], rows_a, sg_a)

        def pair(j, carry):
            k = 2 * j

            @pl.when(j > 0)
            def _():
                pltpu.make_async_copy(rows_b, acc.at[dst_b], ss_b).wait()
            pltpu.async_copy(dst_hbm.at[pl.ds(sbase(k + 1), CHUNK)], dst_b, si_b)
            pltpu.make_async_copy(table_hbm.at[src_a], rows_a, sg_a).wait()
            pltpu.async_copy(src_hbm.at[pl.ds(sbase(k + 2), CHUNK)], src_a, si_a)
            pltpu.async_copy(rows_a, acc.at[dst_a], ss_a, add=True)
            pltpu.make_async_copy(src_hbm.at[pl.ds(0, CHUNK)], src_b, si_b).wait()
            pltpu.make_async_copy(dst_hbm.at[pl.ds(0, CHUNK)], dst_b, si_b).wait()
            pltpu.async_copy(table_hbm.at[src_b], rows_b, sg_b)
            pltpu.make_async_copy(rows_a, acc.at[dst_a], ss_a).wait()
            pltpu.async_copy(dst_hbm.at[pl.ds(sbase(k + 2), CHUNK)], dst_a, si_a)
            pltpu.make_async_copy(table_hbm.at[src_b], rows_b, sg_b).wait()
            pltpu.async_copy(src_hbm.at[pl.ds(sbase(k + 3), CHUNK)], src_b, si_b)
            pltpu.async_copy(rows_b, acc.at[dst_b], ss_b, add=True)
            pltpu.make_async_copy(src_hbm.at[pl.ds(0, CHUNK)], src_a, si_a).wait()
            pltpu.make_async_copy(dst_hbm.at[pl.ds(0, CHUNK)], dst_a, si_a).wait()
            pltpu.async_copy(table_hbm.at[src_a], rows_a, sg_a)
            return carry

        lax.fori_loop(0, NCHUNK // 2, pair, 0)
        pltpu.make_async_copy(rows_b, acc.at[dst_b], ss_b).wait()
        pltpu.make_async_copy(src_hbm.at[pl.ds(0, CHUNK)], src_b, si_b).wait()
        pltpu.make_async_copy(table_hbm.at[src_a], rows_a, sg_a).wait()
        pltpu.sync_copy(rows_a, acc.at[dst_a], add=True)
        plsc.subcore_barrier()

        pltpu.sync_copy(acc.at[pl.ds(sid * ROWS_PER_TILE, ROWS_PER_TILE)],
                        out_hbm.at[cid, pl.ds(sid * ROWS_PER_TILE, ROWS_PER_TILE)])

    return agg


_agg128 = _make_agg(128)


def _pad_edges(v, fill):
    t = v.reshape(NW, EDGES_PER_TILE)
    pad = jnp.full((NW, EPT_PAD - EDGES_PER_TILE), fill, v.dtype)
    return jnp.concatenate([t, pad], axis=1).reshape(-1)


def kernel(x, edge_index, W1, W2):
    dst = _pad_edges(edge_index[0], N)
    src = _pad_edges(edge_index[1], 0)
    support1 = _matmul(x, W1)
    p = _agg128(support1, src, dst)
    h1 = _relu_add(p)
    q = _agg128(h1, src, dst)
    return _add_mm(q, W2)

# --- scband reference (transcript-rebuilt; emitter-appended) ---
"""Pipeline reference for scband-gcnmodel-ae-un-25769804170 (READ-ONLY COPY).

The authoritative reference and input builder live on the scoring server;
editing this copy changes nothing except your own understanding.
"""

import jax, jax.numpy as jnp
import numpy as np

N = 10000
E = 320000
NFEAT = 128
NHID = 128
NCLASS = 64


def _glorot(key, shape):
    limit = np.sqrt(6.0 / (shape[0] + shape[1]))
    return jax.random.uniform(key, shape, dtype=jnp.float32, minval=-limit, maxval=limit)


def setup_inputs(seed: int = 0) -> dict:
    key = jax.random.key(seed)
    k1, k2, k3, k4 = jax.random.split(key, 4)
    x = jax.random.normal(k1, (N, NFEAT), dtype=jnp.float32)
    edge_index = jax.random.randint(k2, (2, E), 0, N, dtype=jnp.int32)
    W1 = _glorot(k3, (NFEAT, NHID))
    W2 = _glorot(k4, (NHID, NCLASS))
    return {"x": x, "edge_index": edge_index, "W1": W1, "W2": W2}


def _gcn_layer(h, W, src, dst, act):
    # GraphConvolution forward: dropout(p=0.0) -> mm -> spmm(adj, support) -> act
    support = h @ W
    gathered = jnp.take(support, src, axis=0)
    agg = jax.ops.segment_sum(gathered, dst, num_segments=N)
    return act(agg)


def reference(x, edge_index, W1, W2):
    dst = edge_index[0]
    src = edge_index[1]
    hidden1 = _gcn_layer(x, W1, src, dst, jax.nn.relu)
    mu = _gcn_layer(hidden1, W2, src, dst, lambda t: t)
    return mu

if __name__ == "__main__":
    import jax
    _d = setup_inputs()
    print(jax.jit(kernel)(*tuple(_d.values())))

</pallas_src>

<mosaic_0001>
#map = affine_map<(d0, d1) -> (0, 0)>
#map1 = affine_map<(d0, d1) -> (0)>
#map2 = affine_map<(d0, d1) -> (0, 0, 0)>
module attributes {stable_mosaic.version = 14 : i64} {
  func.func @agg(%arg0: i32, %arg1: i32, %arg2: memref<10000x128xf32, #tpu.memory_space<hbm>>, %arg3: memref<320000xi32, #tpu.memory_space<hbm>>, %arg4: memref<320000xi32, #tpu.memory_space<hbm>>, %arg5: memref<2x10240x128xf32, #tpu.memory_space<hbm>>, %arg6: memref<80xi32, #tpu.memory_space<vmem>>, %arg7: memref<80xi32, #tpu.memory_space<vmem>>, %arg8: memref<80xi32, #tpu.memory_space<vmem>>, %arg9: memref<80xi32, #tpu.memory_space<vmem>>, %arg10: memref<80x128xf32, #tpu.memory_space<vmem>>, %arg11: memref<80x128xf32, #tpu.memory_space<vmem>>, %arg12: memref<32x128xf32, #tpu.memory_space<vmem>>, %arg13: memref<10240x128xf32, #tpu.memory_space<vmem_shared>>, %arg14: memref<!tpu.dma_semaphore, #tpu.memory_space<semaphore_mem>>, %arg15: memref<!tpu.dma_semaphore, #tpu.memory_space<semaphore_mem>>, %arg16: memref<!tpu.dma_semaphore, #tpu.memory_space<semaphore_mem>>, %arg17: memref<!tpu.dma_semaphore, #tpu.memory_space<semaphore_mem>>, %arg18: memref<!tpu.dma_semaphore, #tpu.memory_space<semaphore_mem>>, %arg19: memref<!tpu.dma_semaphore, #tpu.memory_space<semaphore_mem>>) attributes {dimension_semantics = [#tpu.dimension_semantics<core_parallel>, #tpu.dimension_semantics<subcore_parallel>], iteration_bounds = array<i64: 2, 16>, scalar_prefetch = 0 : i64, scratch_operands = 14 : i64, tpu.core_type = #tpu.core_type<sc_vector_subcore>, window_params = [{transform_indices = #map}, {transform_indices = #map1}, {transform_indices = #map1}, {transform_indices = #map2}]} {
    %mul3A = arith.constant 16 : i32
    %mul3A_0 = arith.muli %arg0, %mul3A : i32
    %add3A = arith.addi %mul3A_0, %arg1 : i32
    %broadcast_in_dim3A = arith.constant 0.000000e+00 : f32
    %broadcast_in_dim3A_1 = vector.broadcast %broadcast_in_dim3A : f32 to vector<16xf32>
    %scan3A = arith.constant 0 : i32
    %scan3A_2 = arith.constant 0 : i32
    %scan3A_3 = arith.constant 256 : i32
    %scan3A_4 = arith.addi %scan3A_2, %scan3A_3 : i32
    %scan3A_5 = arith.constant 1 : i32
    scf.for %scan3A_74 = %scan3A_2 to %scan3A_4 step %scan3A_5  : i32 {
      %jit3A = arith.constant 8 : i32
      %div3A = arith.divsi %scan3A_74, %jit3A : i32
      %sign3A = arith.constant 0 : i32
      %sign3A_75 = arith.cmpi sgt, %scan3A_74, %sign3A : i32
      %sign3A_76 = arith.extui %sign3A_75 : i1 to i32
      %sign3A_77 = arith.constant 0 : i32
      %sign3A_78 = arith.cmpi slt, %scan3A_74, %sign3A_77 : i32
      %sign3A_79 = arith.extui %sign3A_78 : i1 to i32
      %sign3A_80 = arith.subi %sign3A_76, %sign3A_79 : i32
      %sign3A_81 = arith.constant 0 : i32
      %sign3A_82 = arith.cmpi sgt, %jit3A, %sign3A_81 : i32
      %sign3A_83 = arith.extui %sign3A_82 : i1 to i32
      %sign3A_84 = arith.constant 0 : i32
      %sign3A_85 = arith.cmpi slt, %jit3A, %sign3A_84 : i32
      %sign3A_86 = arith.extui %sign3A_85 : i1 to i32
      %sign3A_87 = arith.subi %sign3A_83, %sign3A_86 : i32
      %ne3A = arith.cmpi ne, %sign3A_80, %sign3A_87 : i32
      %rem3A = arith.remsi %scan3A_74, %jit3A : i32
      %ne3A_88 = arith.constant 0 : i32
      %ne3A_89 = arith.cmpi ne, %rem3A, %ne3A_88 : i32
      %and3A = arith.andi %ne3A, %ne3A_89 : i1
      %sub3A = arith.constant 1 : i32
      %sub3A_90 = arith.subi %div3A, %sub3A : i32
      %select_n3A = arith.select %and3A, %sub3A_90, %div3A : i32
      %jit3A_91 = arith.constant 8 : i32
      %eq3A = arith.constant 0 : i32
      %eq3A_92 = arith.cmpi eq, %jit3A_91, %eq3A : i32
      %jit3A_93 = arith.constant 1 : i32
      %select_n3A_94 = arith.select %eq3A_92, %jit3A_93, %jit3A_91 : i32
      %rem3A_95 = arith.remsi %scan3A_74, %select_n3A_94 : i32
      %ne3A_96 = arith.constant 0 : i32
      %ne3A_97 = arith.cmpi ne, %rem3A_95, %ne3A_96 : i32
      %lt3A = arith.constant 0 : i32
      %lt3A_98 = arith.cmpi slt, %rem3A_95, %lt3A : i32
      %lt3A_99 = arith.constant 0 : i32
      %lt3A_100 = arith.cmpi slt, %select_n3A_94, %lt3A_99 : i32
      %ne3A_101 = arith.xori %lt3A_98, %lt3A_100 : i1
      %and3A_102 = arith.andi %ne3A_101, %ne3A_97 : i1
      %add3A_103 = arith.addi %rem3A_95, %select_n3A_94 : i32
      %select_n3A_104 = arith.select %and3A_102, %add3A_103, %rem3A_95 : i32
      %mul3A_105 = arith.constant 16 : i32
      %mul3A_106 = arith.muli %select_n3A_104, %mul3A_105 : i32
      %swap3A = arith.index_cast %select_n3A : i32 to index
      %swap3A_107 = arith.index_cast %mul3A_106 : i32 to index
      %swap3A_108 = tpu.vector_load %arg12[%swap3A, %swap3A_107] {strides = array<i32>} : memref<32x128xf32, #tpu.memory_space<vmem>>, vector<1x16xf32>,
      %swap3A_109 = vector.shape_cast %swap3A_108 : vector<1x16xf32> to vector<16xf32>
      %swap3A_110 = vector.shape_cast %broadcast_in_dim3A_1 : vector<16xf32> to vector<1x16xf32>
      tpu.vector_store %arg12[%swap3A, %swap3A_107], %swap3A_110 {strides = array<i32>} : memref<32x128xf32, #tpu.memory_space<vmem>>, vector<1x16xf32>,
    }
    %scan3A_6 = arith.constant 256 : i32
    %scan3A_7 = arith.constant 0 : i32
    %scan3A_8 = arith.constant 0 : i32
    %scan3A_9 = arith.constant 20 : i32
    %scan3A_10 = arith.addi %scan3A_8, %scan3A_9 : i32
    %scan3A_11 = arith.constant 1 : i32
    scf.for %scan3A_74 = %scan3A_8 to %scan3A_10 step %scan3A_11  : i32 {
      %mul3A_75 = arith.constant 640 : i32
      %mul3A_76 = arith.muli %arg1, %mul3A_75 : i32
      %mul3A_77 = arith.constant 32 : i32
      %mul3A_78 = arith.muli %scan3A_74, %mul3A_77 : i32
      %add3A_79 = arith.addi %mul3A_76, %mul3A_78 : i32
      %dma_start3A_80 = arith.constant 0 : i32
      %dma_start3A_81 = tpu.memref_slice %arg13[%add3A_79, %dma_start3A_80] : memref<10240x128xf32, #tpu.memory_space<vmem_shared>> -> memref<32x128xf32, #tpu.memory_space<vmem_shared>>
      %dma_start3A_82 = arith.constant 0 : i32
      %dma_start3A_83 = tpu.memref_slice %arg13[%add3A_79, %dma_start3A_82] : memref<10240x128xf32, #tpu.memory_space<vmem_shared>> -> memref<32x128xf32, #tpu.memory_space<vmem_shared>>
      tpu.enqueue_dma source(%arg12 : memref<32x128xf32, #tpu.memory_space<vmem>>) target(%dma_start3A_83 : memref<32x128xf32, #tpu.memory_space<vmem_shared>>) target_semaphore(%arg18 : memref<!tpu.dma_semaphore, #tpu.memory_space<semaphore_mem>>)
    }
    %scan3A_12 = arith.constant 20 : i32
    %scan3A_13 = arith.constant 0 : i32
    %scan3A_14 = arith.constant 0 : i32
    %scan3A_15 = arith.constant 20 : i32
    %scan3A_16 = arith.addi %scan3A_14, %scan3A_15 : i32
    %scan3A_17 = arith.constant 1 : i32
    scf.for %scan3A_74 = %scan3A_14 to %scan3A_16 step %scan3A_17  : i32 {
      %mul3A_75 = arith.constant 640 : i32
      %mul3A_76 = arith.muli %arg1, %mul3A_75 : i32
      %dma_wait3A_77 = arith.constant 0 : i32
      %dma_wait3A_78 = tpu.memref_slice %arg13[%mul3A_76, %dma_wait3A_77] : memref<10240x128xf32, #tpu.memory_space<vmem_shared>> -> memref<32x128xf32, #tpu.memory_space<vmem_shared>>
      %dma_wait3A_79 = arith.constant 0 : i32
      %dma_wait3A_80 = tpu.memref_slice %arg13[%mul3A_76, %dma_wait3A_79] : memref<10240x128xf32, #tpu.memory_space<vmem_shared>> -> memref<32x128xf32, #tpu.memory_space<vmem_shared>>
      tpu.wait_dma2 semaphore(%arg18 : memref<!tpu.dma_semaphore, #tpu.memory_space<semaphore_mem>>) src(%arg12 : memref<32x128xf32, #tpu.memory_space<vmem>>) dst(%dma_wait3A_80 : memref<32x128xf32, #tpu.memory_space<vmem_shared>>)
    }
    %scan3A_18 = arith.constant 20 : i32
    %barrier3A = arith.constant 0 : index
    tpu.barrier barrier_id(%barrier3A)
    %mul3A_19 = arith.constant 10000 : i32
    %mul3A_20 = arith.muli %add3A, %mul3A_19 : i32
    %min3A = arith.constant 0 : i32
    %min3A_21 = arith.constant 124 : i32
    %min3A_22 = arith.minsi %min3A, %min3A_21 : i32
    %mul3A_23 = arith.constant 80 : i32
    %mul3A_24 = arith.muli %min3A_22, %mul3A_23 : i32
    %add3A_25 = arith.addi %mul3A_20, %mul3A_24 : i32
    %dma_start3A = tpu.memref_slice %arg3[%add3A_25] : memref<320000xi32, #tpu.memory_space<hbm>> -> memref<80xi32, #tpu.memory_space<hbm>>
    %dma_start3A_26 = tpu.memref_slice %arg3[%add3A_25] : memref<320000xi32, #tpu.memory_space<hbm>> -> memref<80xi32, #tpu.memory_space<hbm>>
    tpu.enqueue_dma source(%dma_start3A_26 : memref<80xi32, #tpu.memory_space<hbm>>) target(%arg6 : memref<80xi32, #tpu.memory_space<vmem>>) target_semaphore(%arg18 : memref<!tpu.dma_semaphore, #tpu.memory_space<semaphore_mem>>)
    %min3A_27 = arith.constant 0 : i32
    %min3A_28 = arith.constant 124 : i32
    %min3A_29 = arith.minsi %min3A_27, %min3A_28 : i32
    %mul3A_30 = arith.constant 80 : i32
    %mul3A_31 = arith.muli %min3A_29, %mul3A_30 : i32
    %add3A_32 = arith.addi %mul3A_20, %mul3A_31 : i32
    %dma_start3A_33 = tpu.memref_slice %arg4[%add3A_32] : memref<320000xi32, #tpu.memory_space<hbm>> -> memref<80xi32, #tpu.memory_space<hbm>>
    %dma_start3A_34 = tpu.memref_slice %arg4[%add3A_32] : memref<320000xi32, #tpu.memory_space<hbm>> -> memref<80xi32, #tpu.memory_space<hbm>>
    tpu.enqueue_dma source(%dma_start3A_34 : memref<80xi32, #tpu.memory_space<hbm>>) target(%arg7 : memref<80xi32, #tpu.memory_space<vmem>>) target_semaphore(%arg18 : memref<!tpu.dma_semaphore, #tpu.memory_space<semaphore_mem>>)
    %min3A_35 = arith.constant 1 : i32
    %min3A_36 = arith.constant 124 : i32
    %min3A_37 = arith.minsi %min3A_35, %min3A_36 : i32
    %mul3A_38 = arith.constant 80 : i32
    %mul3A_39 = arith.muli %min3A_37, %mul3A_38 : i32
    %add3A_40 = arith.addi %mul3A_20, %mul3A_39 : i32
    %dma_start3A_41 = tpu.memref_slice %arg3[%add3A_40] : memref<320000xi32, #tpu.memory_space<hbm>> -> memref<80xi32, #tpu.memory_space<hbm>>
    %dma_start3A_42 = tpu.memref_slice %arg3[%add3A_40] : memref<320000xi32, #tpu.memory_space<hbm>> -> memref<80xi32, #tpu.memory_space<hbm>>
    tpu.enqueue_dma source(%dma_start3A_42 : memref<80xi32, #tpu.memory_space<hbm>>) target(%arg8 : memref<80xi32, #tpu.memory_space<vmem>>) target_semaphore(%arg19 : memref<!tpu.dma_semaphore, #tpu.memory_space<semaphore_mem>>)
    %dma_wait3A = arith.constant 0 : i32
    %dma_wait3A_43 = tpu.memref_slice %arg3[%dma_wait3A] : memref<320000xi32, #tpu.memory_space<hbm>> -> memref<80xi32, #tpu.memory_space<hbm>>
    %dma_wait3A_44 = arith.constant 0 : i32
    %dma_wait3A_45 = tpu.memref_slice %arg3[%dma_wait3A_44] : memref<320000xi32, #tpu.memory_space<hbm>> -> memref<80xi32, #tpu.memory_space<hbm>>
    tpu.wait_dma2 semaphore(%arg18 : memref<!tpu.dma_semaphore, #tpu.memory_space<semaphore_mem>>) src(%dma_wait3A_45 : memref<80xi32, #tpu.memory_space<hbm>>) dst(%arg6 : memref<80xi32, #tpu.memory_space<vmem>>)
    %dma_wait3A_46 = arith.constant 0 : i32
    %dma_wait3A_47 = tpu.memref_slice %arg4[%dma_wait3A_46] : memref<320000xi32, #tpu.memory_space<hbm>> -> memref<80xi32, #tpu.memory_space<hbm>>
    %dma_wait3A_48 = arith.constant 0 : i32
    %dma_wait3A_49 = tpu.memref_slice %arg4[%dma_wait3A_48] : memref<320000xi32, #tpu.memory_space<hbm>> -> memref<80xi32, #tpu.memory_space<hbm>>
    tpu.wait_dma2 semaphore(%arg18 : memref<!tpu.dma_semaphore, #tpu.memory_space<semaphore_mem>>) src(%dma_wait3A_49 : memref<80xi32, #tpu.memory_space<hbm>>) dst(%arg7 : memref<80xi32, #tpu.memory_space<vmem>>)
    %dma_start3A_50 = arith.constant 0 : i32
    %dma_start3A_51 = arith.constant 0 : i32
    %dma_start3A_52 = tpu.memref_slice %arg2[%dma_start3A_50, %dma_start3A_51] : memref<10000x128xf32, #tpu.memory_space<hbm>> -> memref<10000x128xf32, #tpu.memory_space<hbm>>
    tpu.enqueue_indirect_dma source(%dma_start3A_52 : memref<10000x128xf32, #tpu.memory_space<hbm>>) target(%arg10 : memref<80x128xf32, #tpu.memory_space<vmem>>) offsets(%arg6 : memref<80xi32, #tpu.memory_space<vmem>>) semaphore(%arg14 : memref<!tpu.dma_semaphore, #tpu.memory_space<semaphore_mem>>)
    %scan3A_53 = arith.constant 0 : i32
    %scan3A_54 = arith.constant 0 : i32
    %scan3A_55 = arith.constant 62 : i32
    %scan3A_56 = arith.addi %scan3A_54, %scan3A_55 : i32
    %scan3A_57 = arith.constant 1 : i32
    scf.for %scan3A_74 = %scan3A_54 to %scan3A_56 step %scan3A_57  : i32 {
      %mul3A_75 = arith.constant 2 : i32
      %mul3A_76 = arith.muli %mul3A_75, %scan3A_74 : i32
      %gt3A = arith.constant 0 : i32
      %gt3A_77 = arith.cmpi sgt, %scan3A_74, %gt3A : i32
      %convert_element_type3A = arith.extui %gt3A_77 : i1 to i32
      %cond3A = arith.constant 0 : i32
      %cond3A_78 = arith.cmpi ne, %convert_element_type3A, %cond3A : i32
      scf.if %cond3A_78 {
        %dma_wait3A_152 = arith.constant 0 : i32
        %dma_wait3A_153 = arith.constant 0 : i32
        %dma_wait3A_154 = tpu.memref_slice %arg13[%dma_wait3A_152, %dma_wait3A_153] : memref<10240x128xf32, #tpu.memory_space<vmem_shared>> -> memref<10240x128xf32, #tpu.memory_space<vmem_shared>>
        tpu.wait_indirect_dma semaphore(%arg17 : memref<!tpu.dma_semaphore, #tpu.memory_space<semaphore_mem>>) src(%arg11 : memref<80x128xf32, #tpu.memory_space<vmem>>) dst(%dma_wait3A_154 : memref<10240x128xf32, #tpu.memory_space<vmem_shared>>)
      } else {
      }
      %add3A_79 = arith.constant 1 : i32
      %add3A_80 = arith.addi %mul3A_76, %add3A_79 : i32
      %min3A_81 = arith.constant 124 : i32
      %min3A_82 = arith.minsi %add3A_80, %min3A_81 : i32
      %mul3A_83 = arith.constant 80 : i32
      %mul3A_84 = arith.muli %min3A_82, %mul3A_83 : i32
      %add3A_85 = arith.addi %mul3A_20, %mul3A_84 : i32
      %dma_start3A_86 = tpu.memref_slice %arg4[%add3A_85] : memref<320000xi32, #tpu.memory_space<hbm>> -> memref<80xi32, #tpu.memory_space<hbm>>
      %dma_start3A_87 = tpu.memref_slice %arg4[%add3A_85] : memref<320000xi32, #tpu.memory_space<hbm>> -> memref<80xi32, #tpu.memory_space<hbm>>
      tpu.enqueue_dma source(%dma_start3A_87 : memref<80xi32, #tpu.memory_space<hbm>>) target(%arg9 : memref<80xi32, #tpu.memory_space<vmem>>) target_semaphore(%arg19 : memref<!tpu.dma_semaphore, #tpu.memory_space<semaphore_mem>>)
      %dma_wait3A_88 = arith.constant 0 : i32
      %dma_wait3A_89 = arith.constant 0 : i32
      %dma_wait3A_90 = tpu.memref_slice %arg2[%dma_wait3A_88, %dma_wait3A_89] : memref<10000x128xf32, #tpu.memory_space<hbm>> -> memref<10000x128xf32, #tpu.memory_space<hbm>>
      tpu.wait_indirect_dma semaphore(%arg14 : memref<!tpu.dma_semaphore, #tpu.memory_space<semaphore_mem>>) src(%dma_wait3A_90 : memref<10000x128xf32, #tpu.memory_space<hbm>>) dst(%arg10 : memref<80x128xf32, #tpu.memory_space<vmem>>)
      %add3A_91 = arith.constant 2 : i32
      %add3A_92 = arith.addi %mul3A_76, %add3A_91 : i32
      %min3A_93 = arith.constant 124 : i32
      %min3A_94 = arith.minsi %add3A_92, %min3A_93 : i32
      %mul3A_95 = arith.constant 80 : i32
      %mul3A_96 = arith.muli %min3A_94, %mul3A_95 : i32
      %add3A_97 = arith.addi %mul3A_20, %mul3A_96 : i32
      %dma_start3A_98 = tpu.memref_slice %arg3[%add3A_97] : memref<320000xi32, #tpu.memory_space<hbm>> -> memref<80xi32, #tpu.memory_space<hbm>>
      %dma_start3A_99 = tpu.memref_slice %arg3[%add3A_97] : memref<320000xi32, #tpu.memory_space<hbm>> -> memref<80xi32, #tpu.memory_space<hbm>>
      tpu.enqueue_dma source(%dma_start3A_99 : memref<80xi32, #tpu.memory_space<hbm>>) target(%arg6 : memref<80xi32, #tpu.memory_space<vmem>>) target_semaphore(%arg18 : memref<!tpu.dma_semaphore, #tpu.memory_space<semaphore_mem>>)
      %dma_start3A_100 = arith.constant 0 : i32
      %dma_start3A_101 = arith.constant 0 : i32
      %dma_start3A_102 = tpu.memref_slice %arg13[%dma_start3A_100, %dma_start3A_101] : memref<10240x128xf32, #tpu.memory_space<vmem_shared>> -> memref<10240x128xf32, #tpu.memory_space<vmem_shared>>
      tpu.enqueue_indirect_dma source(%arg10 : memref<80x128xf32, #tpu.memory_space<vmem>>) target(%dma_start3A_102 : memref<10240x128xf32, #tpu.memory_space<vmem_shared>>) offsets(%arg7 : memref<80xi32, #tpu.memory_space<vmem>>) semaphore(%arg16 : memref<!tpu.dma_semaphore, #tpu.memory_space<semaphore_mem>>) {add = true}
      %dma_wait3A_103 = arith.constant 0 : i32
      %dma_wait3A_104 = tpu.memref_slice %arg3[%dma_wait3A_103] : memref<320000xi32, #tpu.memory_space<hbm>> -> memref<80xi32, #tpu.memory_space<hbm>>
      %dma_wait3A_105 = arith.constant 0 : i32
      %dma_wait3A_106 = tpu.memref_slice %arg3[%dma_wait3A_105] : memref<320000xi32, #tpu.memory_space<hbm>> -> memref<80xi32, #tpu.memory_space<hbm>>
      tpu.wait_dma2 semaphore(%arg19 : memref<!tpu.dma_semaphore, #tpu.memory_space<semaphore_mem>>) src(%dma_wait3A_106 : memref<80xi32, #tpu.memory_space<hbm>>) dst(%arg8 : memref<80xi32, #tpu.memory_space<vmem>>)
      %dma_wait3A_107 = arith.constant 0 : i32
      %dma_wait3A_108 = tpu.memref_slice %arg4[%dma_wait3A_107] : memref<320000xi32, #tpu.memory_space<hbm>> -> memref<80xi32, #tpu.memory_space<hbm>>
      %dma_wait3A_109 = arith.constant 0 : i32
      %dma_wait3A_110 = tpu.memref_slice %arg4[%dma_wait3A_109] : memref<320000xi32, #tpu.memory_space<hbm>> -> memref<80xi32, #tpu.memory_space<hbm>>
      tpu.wait_dma2 semaphore(%arg19 : memref<!tpu.dma_semaphore, #tpu.memory_space<semaphore_mem>>) src(%dma_wait3A_110 : memref<80xi32, #tpu.memory_space<hbm>>) dst(%arg9 : memref<80xi32, #tpu.memory_space<vmem>>)
      %dma_start3A_111 = arith.constant 0 : i32
      %dma_start3A_112 = arith.constant 0 : i32
      %dma_start3A_113 = tpu.memref_slice %arg2[%dma_start3A_111, %dma_start3A_112] : memref<10000x128xf32, #tpu.memory_space<hbm>> -> memref<10000x128xf32, #tpu.memory_space<hbm>>
      tpu.enqueue_indirect_dma source(%dma_start3A_113 : memref<10000x128xf32, #tpu.memory_space<hbm>>) target(%arg11 : memref<80x128xf32, #tpu.memory_space<vmem>>) offsets(%arg8 : memref<80xi32, #tpu.memory_space<vmem>>) semaphore(%arg15 : memref<!tpu.dma_semaphore, #tpu.memory_space<semaphore_mem>>)
      %dma_wait3A_114 = arith.constant 0 : i32
      %dma_wait3A_115 = arith.constant 0 : i32
      %dma_wait3A_116 = tpu.memref_slice %arg13[%dma_wait3A_114, %dma_wait3A_115] : memref<10240x128xf32, #tpu.memory_space<vmem_shared>> -> memref<10240x128xf32, #tpu.memory_space<vmem_shared>>
      tpu.wait_indirect_dma semaphore(%arg16 : memref<!tpu.dma_semaphore, #tpu.memory_space<semaphore_mem>>) src(%arg10 : memref<80x128xf32, #tpu.memory_space<vmem>>) dst(%dma_wait3A_116 : memref<10240x128xf32, #tpu.memory_space<vmem_shared>>)
      %add3A_117 = arith.constant 2 : i32
      %add3A_118 = arith.addi %mul3A_76, %add3A_117 : i32
      %min3A_119 = arith.constant 124 : i32
      %min3A_120 = arith.minsi %add3A_118, %min3A_119 : i32
      %mul3A_121 = arith.constant 80 : i32
      %mul3A_122 = arith.muli %min3A_120, %mul3A_121 : i32
      %add3A_123 = arith.addi %mul3A_20, %mul3A_122 : i32
      %dma_start3A_124 = tpu.memref_slice %arg4[%add3A_123] : memref<320000xi32, #tpu.memory_space<hbm>> -> memref<80xi32, #tpu.memory_space<hbm>>
      %dma_start3A_125 = tpu.memref_slice %arg4[%add3A_123] : memref<320000xi32, #tpu.memory_space<hbm>> -> memref<80xi32, #tpu.memory_space<hbm>>
      tpu.enqueue_dma source(%dma_start3A_125 : memref<80xi32, #tpu.memory_space<hbm>>) target(%arg7 : memref<80xi32, #tpu.memory_space<vmem>>) target_semaphore(%arg18 : memref<!tpu.dma_semaphore, #tpu.memory_space<semaphore_mem>>)
      %dma_wait3A_126 = arith.constant 0 : i32
      %dma_wait3A_127 = arith.constant 0 : i32
      %dma_wait3A_128 = tpu.memref_slice %arg2[%dma_wait3A_126, %dma_wait3A_127] : memref<10000x128xf32, #tpu.memory_space<hbm>> -> memref<10000x128xf32, #tpu.memory_space<hbm>>
      tpu.wait_indirect_dma semaphore(%arg15 : memref<!tpu.dma_semaphore, #tpu.memory_space<semaphore_mem>>) src(%dma_wait3A_128 : memref<10000x128xf32, #tpu.memory_space<hbm>>) dst(%arg11 : memref<80x128xf32, #tpu.memory_space<vmem>>)
      %add3A_129 = arith.constant 3 : i32
      %add3A_130 = arith.addi %mul3A_76, %add3A_129 : i32
      %min3A_131 = arith.constant 124 : i32
      %min3A_132 = arith.minsi %add3A_130, %min3A_131 : i32
      %mul3A_133 = arith.constant 80 : i32
      %mul3A_134 = arith.muli %min3A_132, %mul3A_133 : i32
      %add3A_135 = arith.addi %mul3A_20, %mul3A_134 : i32
      %dma_start3A_136 = tpu.memref_slice %arg3[%add3A_135] : memref<320000xi32, #tpu.memory_space<hbm>> -> memref<80xi32, #tpu.memory_space<hbm>>
      %dma_start3A_137 = tpu.memref_slice %arg3[%add3A_135] : memref<320000xi32, #tpu.memory_space<hbm>> -> memref<80xi32, #tpu.memory_space<hbm>>
      tpu.enqueue_dma source(%dma_start3A_137 : memref<80xi32, #tpu.memory_space<hbm>>) target(%arg8 : memref<80xi32, #tpu.memory_space<vmem>>) target_semaphore(%arg19 : memref<!tpu.dma_semaphore, #tpu.memory_space<semaphore_mem>>)
      %dma_start3A_138 = arith.constant 0 : i32
      %dma_start3A_139 = arith.constant 0 : i32
      %dma_start3A_140 = tpu.memref_slice %arg13[%dma_start3A_138, %dma_start3A_139] : memref<10240x128xf32, #tpu.memory_space<vmem_shared>> -> memref<10240x128xf32, #tpu.memory_space<vmem_shared>>
      tpu.enqueue_indirect_dma source(%arg11 : memref<80x128xf32, #tpu.memory_space<vmem>>) target(%dma_start3A_140 : memref<10240x128xf32, #tpu.memory_space<vmem_shared>>) offsets(%arg9 : memref<80xi32, #tpu.memory_space<vmem>>) semaphore(%arg17 : memref<!tpu.dma_semaphore, #tpu.memory_space<semaphore_mem>>) {add = true}
      %dma_wait3A_141 = arith.constant 0 : i32
      %dma_wait3A_142 = tpu.memref_slice %arg3[%dma_wait3A_141] : memref<320000xi32, #tpu.memory_space<hbm>> -> memref<80xi32, #tpu.memory_space<hbm>>
      %dma_wait3A_143 = arith.constant 0 : i32
      %dma_wait3A_144 = tpu.memref_slice %arg3[%dma_wait3A_143] : memref<320000xi32, #tpu.memory_space<hbm>> -> memref<80xi32, #tpu.memory_space<hbm>>
      tpu.wait_dma2 semaphore(%arg18 : memref<!tpu.dma_semaphore, #tpu.memory_space<semaphore_mem>>) src(%dma_wait3A_144 : memref<80xi32, #tpu.memory_space<hbm>>) dst(%arg6 : memref<80xi32, #tpu.memory_space<vmem>>)
      %dma_wait3A_145 = arith.constant 0 : i32
      %dma_wait3A_146 = tpu.memref_slice %arg4[%dma_wait3A_145] : memref<320000xi32, #tpu.memory_space<hbm>> -> memref<80xi32, #tpu.memory_space<hbm>>
      %dma_wait3A_147 = arith.constant 0 : i32
      %dma_wait3A_148 = tpu.memref_slice %arg4[%dma_wait3A_147] : memref<320000xi32, #tpu.memory_space<hbm>> -> memref<80xi32, #tpu.memory_space<hbm>>
      tpu.wait_dma2 semaphore(%arg18 : memref<!tpu.dma_semaphore, #tpu.memory_space<semaphore_mem>>) src(%dma_wait3A_148 : memref<80xi32, #tpu.memory_space<hbm>>) dst(%arg7 : memref<80xi32, #tpu.memory_space<vmem>>)
      %dma_start3A_149 = arith.constant 0 : i32
      %dma_start3A_150 = arith.constant 0 : i32
      %dma_start3A_151 = tpu.memref_slice %arg2[%dma_start3A_149, %dma_start3A_150] : memref<10000x128xf32, #tpu.memory_space<hbm>> -> memref<10000x128xf32, #tpu.memory_space<hbm>>
      tpu.enqueue_indirect_dma source(%dma_start3A_151 : memref<10000x128xf32, #tpu.memory_space<hbm>>) target(%arg10 : memref<80x128xf32, #tpu.memory_space<vmem>>) offsets(%arg6 : memref<80xi32, #tpu.memory_space<vmem>>) semaphore(%arg14 : memref<!tpu.dma_semaphore, #tpu.memory_space<semaphore_mem>>)
    }
    %scan3A_58 = arith.constant 62 : i32
    %dma_wait3A_59 = arith.constant 0 : i32
    %dma_wait3A_60 = arith.constant 0 : i32
    %dma_wait3A_61 = tpu.memref_slice %arg13[%dma_wait3A_59, %dma_wait3A_60] : memref<10240x128xf32, #tpu.memory_space<vmem_shared>> -> memref<10240x128xf32, #tpu.memory_space<vmem_shared>>
    tpu.wait_indirect_dma semaphore(%arg17 : memref<!tpu.dma_semaphore, #tpu.memory_space<semaphore_mem>>) src(%arg11 : memref<80x128xf32, #tpu.memory_space<vmem>>) dst(%dma_wait3A_61 : memref<10240x128xf32, #tpu.memory_space<vmem_shared>>)
    %dma_wait3A_62 = arith.constant 0 : i32
    %dma_wait3A_63 = tpu.memref_slice %arg3[%dma_wait3A_62] : memref<320000xi32, #tpu.memory_space<hbm>> -> memref<80xi32, #tpu.memory_space<hbm>>
    %dma_wait3A_64 = arith.constant 0 : i32
    %dma_wait3A_65 = tpu.memref_slice %arg3[%dma_wait3A_64] : memref<320000xi32, #tpu.memory_space<hbm>> -> memref<80xi32, #tpu.memory_space<hbm>>
    tpu.wait_dma2 semaphore(%arg19 : memref<!tpu.dma_semaphore, #tpu.memory_space<semaphore_mem>>) src(%dma_wait3A_65 : memref<80xi32, #tpu.memory_space<hbm>>) dst(%arg8 : memref<80xi32, #tpu.memory_space<vmem>>)
    %dma_wait3A_66 = arith.constant 0 : i32
    %dma_wait3A_67 = arith.constant 0 : i32
    %dma_wait3A_68 = tpu.memref_slice %arg2[%dma_wait3A_66, %dma_wait3A_67] : memref<10000x128xf32, #tpu.memory_space<hbm>> -> memref<10000x128xf32, #tpu.memory_space<hbm>>
    tpu.wait_indirect_dma semaphore(%arg14 : memref<!tpu.dma_semaphore, #tpu.memory_space<semaphore_mem>>) src(%dma_wait3A_68 : memref<10000x128xf32, #tpu.memory_space<hbm>>) dst(%arg10 : memref<80x128xf32, #tpu.memory_space<vmem>>)
    "tpu.region"() ({
      %run_scoped3A = tpu.sem_alloc : memref<!tpu.dma_semaphore, #tpu.memory_space<semaphore_mem>>
      %dma_start3A_74 = arith.constant 0 : i32
      %dma_start3A_75 = arith.constant 0 : i32
      %dma_start3A_76 = tpu.memref_slice %arg13[%dma_start3A_74, %dma_start3A_75] : memref<10240x128xf32, #tpu.memory_space<vmem_shared>> -> memref<10240x128xf32, #tpu.memory_space<vmem_shared>>
      tpu.enqueue_indirect_dma source(%arg10 : memref<80x128xf32, #tpu.memory_space<vmem>>) target(%dma_start3A_76 : memref<10240x128xf32, #tpu.memory_space<vmem_shared>>) offsets(%arg7 : memref<80xi32, #tpu.memory_space<vmem>>) semaphore(%run_scoped3A : memref<!tpu.dma_semaphore, #tpu.memory_space<semaphore_mem>>) {add = true}
      %dma_wait3A_77 = arith.constant 0 : i32
      %dma_wait3A_78 = arith.constant 0 : i32
      %dma_wait3A_79 = tpu.memref_slice %arg13[%dma_wait3A_77, %dma_wait3A_78] : memref<10240x128xf32, #tpu.memory_space<vmem_shared>> -> memref<10240x128xf32, #tpu.memory_space<vmem_shared>>
      tpu.wait_indirect_dma semaphore(%run_scoped3A : memref<!tpu.dma_semaphore, #tpu.memory_space<semaphore_mem>>) src(%arg10 : memref<80x128xf32, #tpu.memory_space<vmem>>) dst(%dma_wait3A_79 : memref<10240x128xf32, #tpu.memory_space<vmem_shared>>)
      tpu.yield
    }) : () -> ()
    %barrier3A_69 = arith.constant 0 : index
    tpu.barrier barrier_id(%barrier3A_69)
    %mul3A_70 = arith.constant 640 : i32
    %mul3A_71 = arith.muli %arg1, %mul3A_70 : i32
    %mul3A_72 = arith.constant 640 : i32
    %mul3A_73 = arith.muli %arg1, %mul3A_72 : i32
    "tpu.region"() ({
      %run_scoped3A = tpu.sem_alloc : memref<!tpu.dma_semaphore, #tpu.memory_space<semaphore_mem>>
      %dma_start3A_74 = arith.constant 0 : i32
      %dma_start3A_75 = tpu.memref_slice %arg5[%arg0, %mul3A_73, %dma_start3A_74] : memref<2x10240x128xf32, #tpu.memory_space<hbm>> -> memref<1x640x128xf32, #tpu.memory_space<hbm>>
      %dma_start3A_76 = tpu.memref_squeeze %dma_start3A_75 : memref<1x640x128xf32, #tpu.memory_space<hbm>> -> memref<640x128xf32, #tpu.memory_space<hbm>>
      %dma_start3A_77 = arith.constant 0 : i32
      %dma_start3A_78 = tpu.memref_slice %arg13[%mul3A_71, %dma_start3A_77] : memref<10240x128xf32, #tpu.memory_space<vmem_shared>> -> memref<640x128xf32, #tpu.memory_space<vmem_shared>>
      tpu.enqueue_dma source(%dma_start3A_78 : memref<640x128xf32, #tpu.memory_space<vmem_shared>>) target(%dma_start3A_76 : memref<640x128xf32, #tpu.memory_space<hbm>>) target_semaphore(%run_scoped3A : memref<!tpu.dma_semaphore, #tpu.memory_space<semaphore_mem>>)
      %dma_wait3A_79 = arith.constant 0 : i32
      %dma_wait3A_80 = tpu.memref_slice %arg5[%arg0, %mul3A_73, %dma_wait3A_79] : memref<2x10240x128xf32, #tpu.memory_space<hbm>> -> memref<1x640x128xf32, #tpu.memory_space<hbm>>
      %dma_wait3A_81 = tpu.memref_squeeze %dma_wait3A_80 : memref<1x640x128xf32, #tpu.memory_space<hbm>> -> memref<640x128xf32, #tpu.memory_space<hbm>>
      %dma_wait3A_82 = arith.constant 0 : i32
      %dma_wait3A_83 = tpu.memref_slice %arg13[%mul3A_71, %dma_wait3A_82] : memref<10240x128xf32, #tpu.memory_space<vmem_shared>> -> memref<640x128xf32, #tpu.memory_space<vmem_shared>>
      tpu.wait_dma2 semaphore(%run_scoped3A : memref<!tpu.dma_semaphore, #tpu.memory_space<semaphore_mem>>) src(%dma_wait3A_83 : memref<640x128xf32, #tpu.memory_space<vmem_shared>>) dst(%dma_wait3A_81 : memref<640x128xf32, #tpu.memory_space<hbm>>)
      tpu.yield
    }) : () -> ()
    return
  }
}

#map = affine_map<(d0, d1) -> (0, 0)>
#map1 = affine_map<(d0, d1) -> (0)>
#map2 = affine_map<(d0, d1) -> (0, 0, 0)>
module attributes {stable_mosaic.version = 14 : i64} {
  func.func @agg(%arg0: i32, %arg1: i32, %arg2: memref<10000x128xf32, #tpu.memory_space<hbm>>, %arg3: memref<320000xi32, #tpu.memory_space<hbm>>, %arg4: memref<320000xi32, #tpu.memory_space<hbm>>, %arg5: memref<2x10240x128xf32, #tpu.memory_space<hbm>>, %arg6: memref<80xi32, #tpu.memory_space<vmem>>, %arg7: memref<80xi32, #tpu.memory_space<vmem>>, %arg8: memref<80xi32, #tpu.memory_space<vmem>>, %arg9: memref<80xi32, #tpu.memory_space<vmem>>, %arg10: memref<80x128xf32, #tpu.memory_space<vmem>>, %arg11: memref<80x128xf32, #tpu.memory_space<vmem>>, %arg12: memref<32x128xf32, #tpu.memory_space<vmem>>, %arg13: memref<10240x128xf32, #tpu.memory_space<vmem_shared>>, %arg14: memref<!tpu.dma_semaphore, #tpu.memory_space<semaphore_mem>>, %arg15: memref<!tpu.dma_semaphore, #tpu.memory_space<semaphore_mem>>, %arg16: memref<!tpu.dma_semaphore, #tpu.memory_space<semaphore_mem>>, %arg17: memref<!tpu.dma_semaphore, #tpu.memory_space<semaphore_mem>>, %arg18: memref<!tpu.dma_semaphore, #tpu.memory_space<semaphore_mem>>, %arg19: memref<!tpu.dma_semaphore, #tpu.memory_space<semaphore_mem>>) attributes {dimension_semantics = [#tpu.dimension_semantics<core_parallel>, #tpu.dimension_semantics<subcore_parallel>], iteration_bounds = array<i64: 2, 16>, scalar_prefetch = 0 : i64, scratch_operands = 14 : i64, tpu.core_type = #tpu.core_type<sc_vector_subcore>, window_params = [{transform_indices = #map}, {transform_indices = #map1}, {transform_indices = #map1}, {transform_indices = #map2}]} {
    %mul3A = arith.constant 16 : i32
    %mul3A_0 = arith.muli %arg0, %mul3A : i32
    %add3A = arith.addi %mul3A_0, %arg1 : i32
    %broadcast_in_dim3A = arith.constant 0.000000e+00 : f32
    %broadcast_in_dim3A_1 = vector.broadcast %broadcast_in_dim3A : f32 to vector<16xf32>
    %scan3A = arith.constant 0 : i32
    %scan3A_2 = arith.constant 0 : i32
    %scan3A_3 = arith.constant 256 : i32
    %scan3A_4 = arith.addi %scan3A_2, %scan3A_3 : i32
    %scan3A_5 = arith.constant 1 : i32
    scf.for %scan3A_74 = %scan3A_2 to %scan3A_4 step %scan3A_5  : i32 {
      %jit3A = arith.constant 8 : i32
      %div3A = arith.divsi %scan3A_74, %jit3A : i32
      %sign3A = arith.constant 0 : i32
      %sign3A_75 = arith.cmpi sgt, %scan3A_74, %sign3A : i32
      %sign3A_76 = arith.extui %sign3A_75 : i1 to i32
      %sign3A_77 = arith.constant 0 : i32
      %sign3A_78 = arith.cmpi slt, %scan3A_74, %sign3A_77 : i32
      %sign3A_79 = arith.extui %sign3A_78 : i1 to i32
      %sign3A_80 = arith.subi %sign3A_76, %sign3A_79 : i32
      %sign3A_81 = arith.constant 0 : i32
      %sign3A_82 = arith.cmpi sgt, %jit3A, %sign3A_81 : i32
      %sign3A_83 = arith.extui %sign3A_82 : i1 to i32
      %sign3A_84 = arith.constant 0 : i32
      %sign3A_85 = arith.cmpi slt, %jit3A, %sign3A_84 : i32
      %sign3A_86 = arith.extui %sign3A_85 : i1 to i32
      %sign3A_87 = arith.subi %sign3A_83, %sign3A_86 : i32
      %ne3A = arith.cmpi ne, %sign3A_80, %sign3A_87 : i32
      %rem3A = arith.remsi %scan3A_74, %jit3A : i32
      %ne3A_88 = arith.constant 0 : i32
      %ne3A_89 = arith.cmpi ne, %rem3A, %ne3A_88 : i32
      %and3A = arith.andi %ne3A, %ne3A_89 : i1
      %sub3A = arith.constant 1 : i32
      %sub3A_90 = arith.subi %div3A, %sub3A : i32
      %select_n3A = arith.select %and3A, %sub3A_90, %div3A : i32
      %jit3A_91 = arith.constant 8 : i32
      %eq3A = arith.constant 0 : i32
      %eq3A_92 = arith.cmpi eq, %jit3A_91, %eq3A : i32
      %jit3A_93 = arith.constant 1 : i32
      %select_n3A_94 = arith.select %eq3A_92, %jit3A_93, %jit3A_91 : i32
      %rem3A_95 = arith.remsi %scan3A_74, %select_n3A_94 : i32
      %ne3A_96 = arith.constant 0 : i32
      %ne3A_97 = arith.cmpi ne, %rem3A_95, %ne3A_96 : i32
      %lt3A = arith.constant 0 : i32
      %lt3A_98 = arith.cmpi slt, %rem3A_95, %lt3A : i32
      %lt3A_99 = arith.constant 0 : i32
      %lt3A_100 = arith.cmpi slt, %select_n3A_94, %lt3A_99 : i32
      %ne3A_101 = arith.xori %lt3A_98, %lt3A_100 : i1
      %and3A_102 = arith.andi %ne3A_101, %ne3A_97 : i1
      %add3A_103 = arith.addi %rem3A_95, %select_n3A_94 : i32
      %select_n3A_104 = arith.select %and3A_102, %add3A_103, %rem3A_95 : i32
      %mul3A_105 = arith.constant 16 : i32
      %mul3A_106 = arith.muli %select_n3A_104, %mul3A_105 : i32
      %swap3A = arith.index_cast %select_n3A : i32 to index
      %swap3A_107 = arith.index_cast %mul3A_106 : i32 to index
      %swap3A_108 = tpu.vector_load %arg12[%swap3A, %swap3A_107] {strides = array<i32>} : memref<32x128xf32, #tpu.memory_space<vmem>>, vector<1x16xf32>,
      %swap3A_109 = vector.shape_cast %swap3A_108 : vector<1x16xf32> to vector<16xf32>
      %swap3A_110 = vector.shape_cast %broadcast_in_dim3A_1 : vector<16xf32> to vector<1x16xf32>
      tpu.vector_store %arg12[%swap3A, %swap3A_107], %swap3A_110 {strides = array<i32>} : memref<32x128xf32, #tpu.memory_space<vmem>>, vector<1x16xf32>,
    }
    %scan3A_6 = arith.constant 256 : i32
    %scan3A_7 = arith.constant 0 : i32
    %scan3A_8 = arith.constant 0 : i32
    %scan3A_9 = arith.constant 20 : i32
    %scan3A_10 = arith.addi %scan3A_8, %scan3A_9 : i32
    %scan3A_11 = arith.constant 1 : i32
    scf.for %scan3A_74 = %scan3A_8 to %scan3A_10 step %scan3A_11  : i32 {
      %mul3A_75 = arith.constant 640 : i32
      %mul3A_76 = arith.muli %arg1, %mul3A_75 : i32
      %mul3A_77 = arith.constant 32 : i32
      %mul3A_78 = arith.muli %scan3A_74, %mul3A_77 : i32
      %add3A_79 = arith.addi %mul3A_76, %mul3A_78 : i32
      %dma_start3A_80 = arith.constant 0 : i32
      %dma_start3A_81 = tpu.memref_slice %arg13[%add3A_79, %dma_start3A_80] : memref<10240x128xf32, #tpu.memory_space<vmem_shared>> -> memref<32x128xf32, #tpu.memory_space<vmem_shared>>
      %dma_start3A_82 = arith.constant 0 : i32
      %dma_start3A_83 = tpu.memref_slice %arg13[%add3A_79, %dma_start3A_82] : memref<10240x128xf32, #tpu.memory_space<vmem_shared>> -> memref<32x128xf32, #tpu.memory_space<vmem_shared>>
      tpu.enqueue_dma source(%arg12 : memref<32x128xf32, #tpu.memory_space<vmem>>) target(%dma_start3A_83 : memref<32x128xf32, #tpu.memory_space<vmem_shared>>) target_semaphore(%arg18 : memref<!tpu.dma_semaphore, #tpu.memory_space<semaphore_mem>>)
    }
    %scan3A_12 = arith.constant 20 : i32
    %scan3A_13 = arith.constant 0 : i32
    %scan3A_14 = arith.constant 0 : i32
    %scan3A_15 = arith.constant 20 : i32
    %scan3A_16 = arith.addi %scan3A_14, %scan3A_15 : i32
    %scan3A_17 = arith.constant 1 : i32
    scf.for %scan3A_74 = %scan3A_14 to %scan3A_16 step %scan3A_17  : i32 {
      %mul3A_75 = arith.constant 640 : i32
      %mul3A_76 = arith.muli %arg1, %mul3A_75 : i32
      %dma_wait3A_77 = arith.constant 0 : i32
      %dma_wait3A_78 = tpu.memref_slice %arg13[%mul3A_76, %dma_wait3A_77] : memref<10240x128xf32, #tpu.memory_space<vmem_shared>> -> memref<32x128xf32, #tpu.memory_space<vmem_shared>>
      %dma_wait3A_79 = arith.constant 0 : i32
      %dma_wait3A_80 = tpu.memref_slice %arg13[%mul3A_76, %dma_wait3A_79] : memref<10240x128xf32, #tpu.memory_space<vmem_shared>> -> memref<32x128xf32, #tpu.memory_space<vmem_shared>>
      tpu.wait_dma2 semaphore(%arg18 : memref<!tpu.dma_semaphore, #tpu.memory_space<semaphore_mem>>) src(%arg12 : memref<32x128xf32, #tpu.memory_space<vmem>>) dst(%dma_wait3A_80 : memref<32x128xf32, #tpu.memory_space<vmem_shared>>)
    }
    %scan3A_18 = arith.constant 20 : i32
    %barrier3A = arith.constant 0 : index
    tpu.barrier barrier_id(%barrier3A)
    %mul3A_19 = arith.constant 10000 : i32
    %mul3A_20 = arith.muli %add3A, %mul3A_19 : i32
    %min3A = arith.constant 0 : i32
    %min3A_21 = arith.constant 124 : i32
    %min3A_22 = arith.minsi %min3A, %min3A_21 : i32
    %mul3A_23 = arith.constant 80 : i32
    %mul3A_24 = arith.muli %min3A_22, %mul3A_23 : i32
    %add3A_25 = arith.addi %mul3A_20, %mul3A_24 : i32
    %dma_start3A = tpu.memref_slice %arg3[%add3A_25] : memref<320000xi32, #tpu.memory_space<hbm>> -> memref<80xi32, #tpu.memory_space<hbm>>
    %dma_start3A_26 = tpu.memref_slice %arg3[%add3A_25] : memref<320000xi32, #tpu.memory_space<hbm>> -> memref<80xi32, #tpu.memory_space<hbm>>
    tpu.enqueue_dma source(%dma_start3A_26 : memref<80xi32, #tpu.memory_space<hbm>>) target(%arg6 : memref<80xi32, #tpu.memory_space<vmem>>) target_semaphore(%arg18 : memref<!tpu.dma_semaphore, #tpu.memory_space<semaphore_mem>>)
    %min3A_27 = arith.constant 0 : i32
    %min3A_28 = arith.constant 124 : i32
    %min3A_29 = arith.minsi %min3A_27, %min3A_28 : i32
    %mul3A_30 = arith.constant 80 : i32
    %mul3A_31 = arith.muli %min3A_29, %mul3A_30 : i32
    %add3A_32 = arith.addi %mul3A_20, %mul3A_31 : i32
    %dma_start3A_33 = tpu.memref_slice %arg4[%add3A_32] : memref<320000xi32, #tpu.memory_space<hbm>> -> memref<80xi32, #tpu.memory_space<hbm>>
    %dma_start3A_34 = tpu.memref_slice %arg4[%add3A_32] : memref<320000xi32, #tpu.memory_space<hbm>> -> memref<80xi32, #tpu.memory_space<hbm>>
    tpu.enqueue_dma source(%dma_start3A_34 : memref<80xi32, #tpu.memory_space<hbm>>) target(%arg7 : memref<80xi32, #tpu.memory_space<vmem>>) target_semaphore(%arg18 : memref<!tpu.dma_semaphore, #tpu.memory_space<semaphore_mem>>)
    %min3A_35 = arith.constant 1 : i32
    %min3A_36 = arith.constant 124 : i32
    %min3A_37 = arith.minsi %min3A_35, %min3A_36 : i32
    %mul3A_38 = arith.constant 80 : i32
    %mul3A_39 = arith.muli %min3A_37, %mul3A_38 : i32
    %add3A_40 = arith.addi %mul3A_20, %mul3A_39 : i32
    %dma_start3A_41 = tpu.memref_slice %arg3[%add3A_40] : memref<320000xi32, #tpu.memory_space<hbm>> -> memref<80xi32, #tpu.memory_space<hbm>>
    %dma_start3A_42 = tpu.memref_slice %arg3[%add3A_40] : memref<320000xi32, #tpu.memory_space<hbm>> -> memref<80xi32, #tpu.memory_space<hbm>>
    tpu.enqueue_dma source(%dma_start3A_42 : memref<80xi32, #tpu.memory_space<hbm>>) target(%arg8 : memref<80xi32, #tpu.memory_space<vmem>>) target_semaphore(%arg19 : memref<!tpu.dma_semaphore, #tpu.memory_space<semaphore_mem>>)
    %dma_wait3A = arith.constant 0 : i32
    %dma_wait3A_43 = tpu.memref_slice %arg3[%dma_wait3A] : memref<320000xi32, #tpu.memory_space<hbm>> -> memref<80xi32, #tpu.memory_space<hbm>>
    %dma_wait3A_44 = arith.constant 0 : i32
    %dma_wait3A_45 = tpu.memref_slice %arg3[%dma_wait3A_44] : memref<320000xi32, #tpu.memory_space<hbm>> -> memref<80xi32, #tpu.memory_space<hbm>>
    tpu.wait_dma2 semaphore(%arg18 : memref<!tpu.dma_semaphore, #tpu.memory_space<semaphore_mem>>) src(%dma_wait3A_45 : memref<80xi32, #tpu.memory_space<hbm>>) dst(%arg6 : memref<80xi32, #tpu.memory_space<vmem>>)
    %dma_wait3A_46 = arith.constant 0 : i32
    %dma_wait3A_47 = tpu.memref_slice %arg4[%dma_wait3A_46] : memref<320000xi32, #tpu.memory_space<hbm>> -> memref<80xi32, #tpu.memory_space<hbm>>
    %dma_wait3A_48 = arith.constant 0 : i32
    %dma_wait3A_49 = tpu.memref_slice %arg4[%dma_wait3A_48] : memref<320000xi32, #tpu.memory_space<hbm>> -> memref<80xi32, #tpu.memory_space<hbm>>
    tpu.wait_dma2 semaphore(%arg18 : memref<!tpu.dma_semaphore, #tpu.memory_space<semaphore_mem>>) src(%dma_wait3A_49 : memref<80xi32, #tpu.memory_space<hbm>>) dst(%arg7 : memref<80xi32, #tpu.memory_space<vmem>>)
    %dma_start3A_50 = arith.constant 0 : i32
    %dma_start3A_51 = arith.constant 0 : i32
    %dma_start3A_52 = tpu.memref_slice %arg2[%dma_start3A_50, %dma_start3A_51] : memref<10000x128xf32, #tpu.memory_space<hbm>> -> memref<10000x128xf32, #tpu.memory_space<hbm>>
    tpu.enqueue_indirect_dma source(%dma_start3A_52 : memref<10000x128xf32, #tpu.memory_space<hbm>>) target(%arg10 : memref<80x128xf32, #tpu.memory_space<vmem>>) offsets(%arg6 : memref<80xi32, #tpu.memory_space<vmem>>) semaphore(%arg14 : memref<!tpu.dma_semaphore, #tpu.memory_space<semaphore_mem>>)
    %scan3A_53 = arith.constant 0 : i32
    %scan3A_54 = arith.constant 0 : i32
    %scan3A_55 = arith.constant 62 : i32
    %scan3A_56 = arith.addi %scan3A_54, %scan3A_55 : i32
    %scan3A_57 = arith.constant 1 : i32
    scf.for %scan3A_74 = %scan3A_54 to %scan3A_56 step %scan3A_57  : i32 {
      %mul3A_75 = arith.constant 2 : i32
      %mul3A_76 = arith.muli %mul3A_75, %scan3A_74 : i32
      %gt3A = arith.constant 0 : i32
      %gt3A_77 = arith.cmpi sgt, %scan3A_74, %gt3A : i32
      %convert_element_type3A = arith.extui %gt3A_77 : i1 to i32
      %cond3A = arith.constant 0 : i32
      %cond3A_78 = arith.cmpi ne, %convert_element_type3A, %cond3A : i32
      scf.if %cond3A_78 {
        %dma_wait3A_152 = arith.constant 0 : i32
        %dma_wait3A_153 = arith.constant 0 : i32
        %dma_wait3A_154 = tpu.memref_slice %arg13[%dma_wait3A_152, %dma_wait3A_153] : memref<10240x128xf32, #tpu.memory_space<vmem_shared>> -> memref<10240x128xf32, #tpu.memory_space<vmem_shared>>
        tpu.wait_indirect_dma semaphore(%arg17 : memref<!tpu.dma_semaphore, #tpu.memory_space<semaphore_mem>>) src(%arg11 : memref<80x128xf32, #tpu.memory_space<vmem>>) dst(%dma_wait3A_154 : memref<10240x128xf32, #tpu.memory_space<vmem_shared>>)
      } else {
      }
      %add3A_79 = arith.constant 1 : i32
      %add3A_80 = arith.addi %mul3A_76, %add3A_79 : i32
      %min3A_81 = arith.constant 124 : i32
      %min3A_82 = arith.minsi %add3A_80, %min3A_81 : i32
      %mul3A_83 = arith.constant 80 : i32
      %mul3A_84 = arith.muli %min3A_82, %mul3A_83 : i32
      %add3A_85 = arith.addi %mul3A_20, %mul3A_84 : i32
      %dma_start3A_86 = tpu.memref_slice %arg4[%add3A_85] : memref<320000xi32, #tpu.memory_space<hbm>> -> memref<80xi32, #tpu.memory_space<hbm>>
      %dma_start3A_87 = tpu.memref_slice %arg4[%add3A_85] : memref<320000xi32, #tpu.memory_space<hbm>> -> memref<80xi32, #tpu.memory_space<hbm>>
      tpu.enqueue_dma source(%dma_start3A_87 : memref<80xi32, #tpu.memory_space<hbm>>) target(%arg9 : memref<80xi32, #tpu.memory_space<vmem>>) target_semaphore(%arg19 : memref<!tpu.dma_semaphore, #tpu.memory_space<semaphore_mem>>)
      %dma_wait3A_88 = arith.constant 0 : i32
      %dma_wait3A_89 = arith.constant 0 : i32
      %dma_wait3A_90 = tpu.memref_slice %arg2[%dma_wait3A_88, %dma_wait3A_89] : memref<10000x128xf32, #tpu.memory_space<hbm>> -> memref<10000x128xf32, #tpu.memory_space<hbm>>
      tpu.wait_indirect_dma semaphore(%arg14 : memref<!tpu.dma_semaphore, #tpu.memory_space<semaphore_mem>>) src(%dma_wait3A_90 : memref<10000x128xf32, #tpu.memory_space<hbm>>) dst(%arg10 : memref<80x128xf32, #tpu.memory_space<vmem>>)
      %add3A_91 = arith.constant 2 : i32
      %add3A_92 = arith.addi %mul3A_76, %add3A_91 : i32
      %min3A_93 = arith.constant 124 : i32
      %min3A_94 = arith.minsi %add3A_92, %min3A_93 : i32
      %mul3A_95 = arith.constant 80 : i32
      %mul3A_96 = arith.muli %min3A_94, %mul3A_95 : i32
      %add3A_97 = arith.addi %mul3A_20, %mul3A_96 : i32
      %dma_start3A_98 = tpu.memref_slice %arg3[%add3A_97] : memref<320000xi32, #tpu.memory_space<hbm>> -> memref<80xi32, #tpu.memory_space<hbm>>
      %dma_start3A_99 = tpu.memref_slice %arg3[%add3A_97] : memref<320000xi32, #tpu.memory_space<hbm>> -> memref<80xi32, #tpu.memory_space<hbm>>
      tpu.enqueue_dma source(%dma_start3A_99 : memref<80xi32, #tpu.memory_space<hbm>>) target(%arg6 : memref<80xi32, #tpu.memory_space<vmem>>) target_semaphore(%arg18 : memref<!tpu.dma_semaphore, #tpu.memory_space<semaphore_mem>>)
      %dma_start3A_100 = arith.constant 0 : i32
      %dma_start3A_101 = arith.constant 0 : i32
      %dma_start3A_102 = tpu.memref_slice %arg13[%dma_start3A_100, %dma_start3A_101] : memref<10240x128xf32, #tpu.memory_space<vmem_shared>> -> memref<10240x128xf32, #tpu.memory_space<vmem_shared>>
      tpu.enqueue_indirect_dma source(%arg10 : memref<80x128xf32, #tpu.memory_space<vmem>>) target(%dma_start3A_102 : memref<10240x128xf32, #tpu.memory_space<vmem_shared>>) offsets(%arg7 : memref<80xi32, #tpu.memory_space<vmem>>) semaphore(%arg16 : memref<!tpu.dma_semaphore, #tpu.memory_space<semaphore_mem>>) {add = true}
      %dma_wait3A_103 = arith.constant 0 : i32
      %dma_wait3A_104 = tpu.memref_slice %arg3[%dma_wait3A_103] : memref<320000xi32, #tpu.memory_space<hbm>> -> memref<80xi32, #tpu.memory_space<hbm>>
      %dma_wait3A_105 = arith.constant 0 : i32
      %dma_wait3A_106 = tpu.memref_slice %arg3[%dma_wait3A_105] : memref<320000xi32, #tpu.memory_space<hbm>> -> memref<80xi32, #tpu.memory_space<hbm>>
      tpu.wait_dma2 semaphore(%arg19 : memref<!tpu.dma_semaphore, #tpu.memory_space<semaphore_mem>>) src(%dma_wait3A_106 : memref<80xi32, #tpu.memory_space<hbm>>) dst(%arg8 : memref<80xi32, #tpu.memory_space<vmem>>)
      %dma_wait3A_107 = arith.constant 0 : i32
      %dma_wait3A_108 = tpu.memref_slice %arg4[%dma_wait3A_107] : memref<320000xi32, #tpu.memory_space<hbm>> -> memref<80xi32, #tpu.memory_space<hbm>>
      %dma_wait3A_109 = arith.constant 0 : i32
      %dma_wait3A_110 = tpu.memref_slice %arg4[%dma_wait3A_109] : memref<320000xi32, #tpu.memory_space<hbm>> -> memref<80xi32, #tpu.memory_space<hbm>>
      tpu.wait_dma2 semaphore(%arg19 : memref<!tpu.dma_semaphore, #tpu.memory_space<semaphore_mem>>) src(%dma_wait3A_110 : memref<80xi32, #tpu.memory_space<hbm>>) dst(%arg9 : memref<80xi32, #tpu.memory_space<vmem>>)
      %dma_start3A_111 = arith.constant 0 : i32
      %dma_start3A_112 = arith.constant 0 : i32
      %dma_start3A_113 = tpu.memref_slice %arg2[%dma_start3A_111, %dma_start3A_112] : memref<10000x128xf32, #tpu.memory_space<hbm>> -> memref<10000x128xf32, #tpu.memory_space<hbm>>
      tpu.enqueue_indirect_dma source(%dma_start3A_113 : memref<10000x128xf32, #tpu.memory_space<hbm>>) target(%arg11 : memref<80x128xf32, #tpu.memory_space<vmem>>) offsets(%arg8 : memref<80xi32, #tpu.memory_space<vmem>>) semaphore(%arg15 : memref<!tpu.dma_semaphore, #tpu.memory_space<semaphore_mem>>)
      %dma_wait3A_114 = arith.constant 0 : i32
      %dma_wait3A_115 = arith.constant 0 : i32
      %dma_wait3A_116 = tpu.memref_slice %arg13[%dma_wait3A_114, %dma_wait3A_115] : memref<10240x128xf32, #tpu.memory_space<vmem_shared>> -> memref<10240x128xf32, #tpu.memory_space<vmem_shared>>
      tpu.wait_indirect_dma semaphore(%arg16 : memref<!tpu.dma_semaphore, #tpu.memory_space<semaphore_mem>>) src(%arg10 : memref<80x128xf32, #tpu.memory_space<vmem>>) dst(%dma_wait3A_116 : memref<10240x128xf32, #tpu.memory_space<vmem_shared>>)
      %add3A_117 = arith.constant 2 : i32
      %add3A_118 = arith.addi %mul3A_76, %add3A_117 : i32
      %min3A_119 = arith.constant 124 : i32
      %min3A_120 = arith.minsi %add3A_118, %min3A_119 : i32
      %mul3A_121 = arith.constant 80 : i32
      %mul3A_122 = arith.muli %min3A_120, %mul3A_121 : i32
      %add3A_123 = arith.addi %mul3A_20, %mul3A_122 : i32
      %dma_start3A_124 = tpu.memref_slice %arg4[%add3A_123] : memref<320000xi32, #tpu.memory_space<hbm>> -> memref<80xi32, #tpu.memory_space<hbm>>
      %dma_start3A_125 = tpu.memref_slice %arg4[%add3A_123] : memref<320000xi32, #tpu.memory_space<hbm>> -> memref<80xi32, #tpu.memory_space<hbm>>
      tpu.enqueue_dma source(%dma_start3A_125 : memref<80xi32, #tpu.memory_space<hbm>>) target(%arg7 : memref<80xi32, #tpu.memory_space<vmem>>) target_semaphore(%arg18 : memref<!tpu.dma_semaphore, #tpu.memory_space<semaphore_mem>>)
      %dma_wait3A_126 = arith.constant 0 : i32
      %dma_wait3A_127 = arith.constant 0 : i32
      %dma_wait3A_128 = tpu.memref_slice %arg2[%dma_wait3A_126, %dma_wait3A_127] : memref<10000x128xf32, #tpu.memory_space<hbm>> -> memref<10000x128xf32, #tpu.memory_space<hbm>>
      tpu.wait_indirect_dma semaphore(%arg15 : memref<!tpu.dma_semaphore, #tpu.memory_space<semaphore_mem>>) src(%dma_wait3A_128 : memref<10000x128xf32, #tpu.memory_space<hbm>>) dst(%arg11 : memref<80x128xf32, #tpu.memory_space<vmem>>)
      %add3A_129 = arith.constant 3 : i32
      %add3A_130 = arith.addi %mul3A_76, %add3A_129 : i32
      %min3A_131 = arith.constant 124 : i32
      %min3A_132 = arith.minsi %add3A_130, %min3A_131 : i32
      %mul3A_133 = arith.constant 80 : i32
      %mul3A_134 = arith.muli %min3A_132, %mul3A_133 : i32
      %add3A_135 = arith.addi %mul3A_20, %mul3A_134 : i32
      %dma_start3A_136 = tpu.memref_slice %arg3[%add3A_135] : memref<320000xi32, #tpu.memory_space<hbm>> -> memref<80xi32, #tpu.memory_space<hbm>>
      %dma_start3A_137 = tpu.memref_slice %arg3[%add3A_135] : memref<320000xi32, #tpu.memory_space<hbm>> -> memref<80xi32, #tpu.memory_space<hbm>>
      tpu.enqueue_dma source(%dma_start3A_137 : memref<80xi32, #tpu.memory_space<hbm>>) target(%arg8 : memref<80xi32, #tpu.memory_space<vmem>>) target_semaphore(%arg19 : memref<!tpu.dma_semaphore, #tpu.memory_space<semaphore_mem>>)
      %dma_start3A_138 = arith.constant 0 : i32
      %dma_start3A_139 = arith.constant 0 : i32
      %dma_start3A_140 = tpu.memref_slice %arg13[%dma_start3A_138, %dma_start3A_139] : memref<10240x128xf32, #tpu.memory_space<vmem_shared>> -> memref<10240x128xf32, #tpu.memory_space<vmem_shared>>
      tpu.enqueue_indirect_dma source(%arg11 : memref<80x128xf32, #tpu.memory_space<vmem>>) target(%dma_start3A_140 : memref<10240x128xf32, #tpu.memory_space<vmem_shared>>) offsets(%arg9 : memref<80xi32, #tpu.memory_space<vmem>>) semaphore(%arg17 : memref<!tpu.dma_semaphore, #tpu.memory_space<semaphore_mem>>) {add = true}
      %dma_wait3A_141 = arith.constant 0 : i32
      %dma_wait3A_142 = tpu.memref_slice %arg3[%dma_wait3A_141] : memref<320000xi32, #tpu.memory_space<hbm>> -> memref<80xi32, #tpu.memory_space<hbm>>
      %dma_wait3A_143 = arith.constant 0 : i32
      %dma_wait3A_144 = tpu.memref_slice %arg3[%dma_wait3A_143] : memref<320000xi32, #tpu.memory_space<hbm>> -> memref<80xi32, #tpu.memory_space<hbm>>
      tpu.wait_dma2 semaphore(%arg18 : memref<!tpu.dma_semaphore, #tpu.memory_space<semaphore_mem>>) src(%dma_wait3A_144 : memref<80xi32, #tpu.memory_space<hbm>>) dst(%arg6 : memref<80xi32, #tpu.memory_space<vmem>>)
      %dma_wait3A_145 = arith.constant 0 : i32
      %dma_wait3A_146 = tpu.memref_slice %arg4[%dma_wait3A_145] : memref<320000xi32, #tpu.memory_space<hbm>> -> memref<80xi32, #tpu.memory_space<hbm>>
      %dma_wait3A_147 = arith.constant 0 : i32
      %dma_wait3A_148 = tpu.memref_slice %arg4[%dma_wait3A_147] : memref<320000xi32, #tpu.memory_space<hbm>> -> memref<80xi32, #tpu.memory_space<hbm>>
      tpu.wait_dma2 semaphore(%arg18 : memref<!tpu.dma_semaphore, #tpu.memory_space<semaphore_mem>>) src(%dma_wait3A_148 : memref<80xi32, #tpu.memory_space<hbm>>) dst(%arg7 : memref<80xi32, #tpu.memory_space<vmem>>)
      %dma_start3A_149 = arith.constant 0 : i32
      %dma_start3A_150 = arith.constant 0 : i32
      %dma_start3A_151 = tpu.memref_slice %arg2[%dma_start3A_149, %dma_start3A_150] : memref<10000x128xf32, #tpu.memory_space<hbm>> -> memref<10000x128xf32, #tpu.memory_space<hbm>>
      tpu.enqueue_indirect_dma source(%dma_start3A_151 : memref<10000x128xf32, #tpu.memory_space<hbm>>) target(%arg10 : memref<80x128xf32, #tpu.memory_space<vmem>>) offsets(%arg6 : memref<80xi32, #tpu.memory_space<vmem>>) semaphore(%arg14 : memref<!tpu.dma_semaphore, #tpu.memory_space<semaphore_mem>>)
    }
    %scan3A_58 = arith.constant 62 : i32
    %dma_wait3A_59 = arith.constant 0 : i32
    %dma_wait3A_60 = arith.constant 0 : i32
    %dma_wait3A_61 = tpu.memref_slice %arg13[%dma_wait3A_59, %dma_wait3A_60] : memref<10240x128xf32, #tpu.memory_space<vmem_shared>> -> memref<10240x128xf32, #tpu.memory_space<vmem_shared>>
    tpu.wait_indirect_dma semaphore(%arg17 : memref<!tpu.dma_semaphore, #tpu.memory_space<semaphore_mem>>) src(%arg11 : memref<80x128xf32, #tpu.memory_space<vmem>>) dst(%dma_wait3A_61 : memref<10240x128xf32, #tpu.memory_space<vmem_shared>>)
    %dma_wait3A_62 = arith.constant 0 : i32
    %dma_wait3A_63 = tpu.memref_slice %arg3[%dma_wait3A_62] : memref<320000xi32, #tpu.memory_space<hbm>> -> memref<80xi32, #tpu.memory_space<hbm>>
    %dma_wait3A_64 = arith.constant 0 : i32
    %dma_wait3A_65 = tpu.memref_slice %arg3[%dma_wait3A_64] : memref<320000xi32, #tpu.memory_space<hbm>> -> memref<80xi32, #tpu.memory_space<hbm>>
    tpu.wait_dma2 semaphore(%arg19 : memref<!tpu.dma_semaphore, #tpu.memory_space<semaphore_mem>>) src(%dma_wait3A_65 : memref<80xi32, #tpu.memory_space<hbm>>) dst(%arg8 : memref<80xi32, #tpu.memory_space<vmem>>)
    %dma_wait3A_66 = arith.constant 0 : i32
    %dma_wait3A_67 = arith.constant 0 : i32
    %dma_wait3A_68 = tpu.memref_slice %arg2[%dma_wait3A_66, %dma_wait3A_67] : memref<10000x128xf32, #tpu.memory_space<hbm>> -> memref<10000x128xf32, #tpu.memory_space<hbm>>
    tpu.wait_indirect_dma semaphore(%arg14 : memref<!tpu.dma_semaphore, #tpu.memory_space<semaphore_mem>>) src(%dma_wait3A_68 : memref<10000x128xf32, #tpu.memory_space<hbm>>) dst(%arg10 : memref<80x128xf32, #tpu.memory_space<vmem>>)
    "tpu.region"() ({
      %run_scoped3A = tpu.sem_alloc : memref<!tpu.dma_semaphore, #tpu.memory_space<semaphore_mem>>
      %dma_start3A_74 = arith.constant 0 : i32
      %dma_start3A_75 = arith.constant 0 : i32
      %dma_start3A_76 = tpu.memref_slice %arg13[%dma_start3A_74, %dma_start3A_75] : memref<10240x128xf32, #tpu.memory_space<vmem_shared>> -> memref<10240x128xf32, #tpu.memory_space<vmem_shared>>
      tpu.enqueue_indirect_dma source(%arg10 : memref<80x128xf32, #tpu.memory_space<vmem>>) target(%dma_start3A_76 : memref<10240x128xf32, #tpu.memory_space<vmem_shared>>) offsets(%arg7 : memref<80xi32, #tpu.memory_space<vmem>>) semaphore(%run_scoped3A : memref<!tpu.dma_semaphore, #tpu.memory_space<semaphore_mem>>) {add = true}
      %dma_wait3A_77 = arith.constant 0 : i32
      %dma_wait3A_78 = arith.constant 0 : i32
      %dma_wait3A_79 = tpu.memref_slice %arg13[%dma_wait3A_77, %dma_wait3A_78] : memref<10240x128xf32, #tpu.memory_space<vmem_shared>> -> memref<10240x128xf32, #tpu.memory_space<vmem_shared>>
      tpu.wait_indirect_dma semaphore(%run_scoped3A : memref<!tpu.dma_semaphore, #tpu.memory_space<semaphore_mem>>) src(%arg10 : memref<80x128xf32, #tpu.memory_space<vmem>>) dst(%dma_wait3A_79 : memref<10240x128xf32, #tpu.memory_space<vmem_shared>>)
      tpu.yield
    }) : () -> ()
    %barrier3A_69 = arith.constant 0 : index
    tpu.barrier barrier_id(%barrier3A_69)
    %mul3A_70 = arith.constant 640 : i32
    %mul3A_71 = arith.muli %arg1, %mul3A_70 : i32
    %mul3A_72 = arith.constant 640 : i32
    %mul3A_73 = arith.muli %arg1, %mul3A_72 : i32
    "tpu.region"() ({
      %run_scoped3A = tpu.sem_alloc : memref<!tpu.dma_semaphore, #tpu.memory_space<semaphore_mem>>
      %dma_start3A_74 = arith.constant 0 : i32
      %dma_start3A_75 = tpu.memref_slice %arg5[%arg0, %mul3A_73, %dma_start3A_74] : memref<2x10240x128xf32, #tpu.memory_space<hbm>> -> memref<1x640x128xf32, #tpu.memory_space<hbm>>
      %dma_start3A_76 = tpu.memref_squeeze %dma_start3A_75 : memref<1x640x128xf32, #tpu.memory_space<hbm>> -> memref<640x128xf32, #tpu.memory_space<hbm>>
      %dma_start3A_77 = arith.constant 0 : i32
      %dma_start3A_78 = tpu.memref_slice %arg13[%mul3A_71, %dma_start3A_77] : memref<10240x128xf32, #tpu.memory_space<vmem_shared>> -> memref<640x128xf32, #tpu.memory_space<vmem_shared>>
      tpu.enqueue_dma source(%dma_start3A_78 : memref<640x128xf32, #tpu.memory_space<vmem_shared>>) target(%dma_start3A_76 : memref<640x128xf32, #tpu.memory_space<hbm>>) target_semaphore(%run_scoped3A : memref<!tpu.dma_semaphore, #tpu.memory_space<semaphore_mem>>)
      %dma_wait3A_79 = arith.constant 0 : i32
      %dma_wait3A_80 = tpu.memref_slice %arg5[%arg0, %mul3A_73, %dma_wait3A_79] : memref<2x10240x128xf32, #tpu.memory_space<hbm>> -> memref<1x640x128xf32, #tpu.memory_space<hbm>>
      %dma_wait3A_81 = tpu.memref_squeeze %dma_wait3A_80 : memref<1x640x128xf32, #tpu.memory_space<hbm>> -> memref<640x128xf32, #tpu.memory_space<hbm>>
      %dma_wait3A_82 = arith.constant 0 : i32
      %dma_wait3A_83 = tpu.memref_slice %arg13[%mul3A_71, %dma_wait3A_82] : memref<10240x128xf32, #tpu.memory_space<vmem_shared>> -> memref<640x128xf32, #tpu.memory_space<vmem_shared>>
      tpu.wait_dma2 semaphore(%run_scoped3A : memref<!tpu.dma_semaphore, #tpu.memory_space<semaphore_mem>>) src(%dma_wait3A_83 : memref<640x128xf32, #tpu.memory_space<vmem_shared>>) dst(%dma_wait3A_81 : memref<640x128xf32, #tpu.memory_space<hbm>>)
      tpu.yield
    }) : () -> ()
    return
  }
}

module attributes {stable_mosaic.version = 14 : i64} {
  func.func @_relu_add_body(%arg0: i32, %arg1: memref<2x1000x128xf32, #tpu.memory_space<vmem>>, %arg2: memref<1000x128xf32, #tpu.memory_space<vmem>>) attributes {dimension_semantics = [#tpu.dimension_semantics<arbitrary>], iteration_bounds = array<i64: 10>, scalar_prefetch = 0 : i64, scratch_operands = 0 : i64, tpu.core_type = #tpu.core_type<tc>, window_params = [{transform_indices = @transform_0, window_bounds = array<i64: 2, 1000, 128>}, {transform_indices = @transform_1, window_bounds = array<i64: 1000, 128>}]} {
    %get3A = arith.constant 0 : index
    %get3A_0 = arith.constant 0 : index
    %get3A_1 = arith.constant 0 : index
    %get3A_2 = vector.load %arg1[%get3A, %get3A_0, %get3A_1] : memref<2x1000x128xf32, #tpu.memory_space<vmem>>, vector<1x1000x128xf32>
    %get3A_3 = vector.shape_cast %get3A_2 : vector<1x1000x128xf32> to vector<1000x128xf32>
    %get3A_4 = arith.constant 1 : index
    %get3A_5 = arith.constant 0 : index
    %get3A_6 = arith.constant 0 : index
    %get3A_7 = vector.load %arg1[%get3A_4, %get3A_5, %get3A_6] : memref<2x1000x128xf32, #tpu.memory_space<vmem>>, vector<1x1000x128xf32>
    %get3A_8 = vector.shape_cast %get3A_7 : vector<1x1000x128xf32> to vector<1000x128xf32>
    %add3A = arith.addf %get3A_3, %get3A_8 : vector<1000x128xf32>
    %max3A = arith.constant 0.000000e+00 : f32
    %max3A_9 = vector.broadcast %max3A : f32 to vector<1000x128xf32>
    %max3A_10 = arith.maximumf %add3A, %max3A_9 : vector<1000x128xf32>
    %swap3A = arith.constant 0 : index
    %swap3A_11 = arith.constant 0 : index
    %swap3A_12 = vector.load %arg2[%swap3A, %swap3A_11] : memref<1000x128xf32, #tpu.memory_space<vmem>>, vector<1000x128xf32>
    tpu.vector_store %arg2[%swap3A, %swap3A_11], %max3A_10 {strides = array<i32>} : memref<1000x128xf32, #tpu.memory_space<vmem>>, vector<1000x128xf32>,
    return
  }
  func.func @transform_0(%arg0: i32) -> (i32, i32, i32) {
    %c0_i32 = arith.constant 0 : i32
    %c0_i32_0 = arith.constant 0 : i32
    %c0_i32_1 = arith.constant 0 : i32
    return %c0_i32, %arg0, %c0_i32_0 : i32, i32, i32
  }
  func.func @transform_1(%arg0: i32) -> (i32, i32) {
    %c0_i32 = arith.constant 0 : i32
    %c0_i32_0 = arith.constant 0 : i32
    return %arg0, %c0_i32 : i32, i32
  }
}

module attributes {stable_mosaic.version = 14 : i64} {
  func.func @_mm_body(%arg0: i32, %arg1: memref<1000x128xf32, #tpu.memory_space<vmem>>, %arg2: memref<128x128xf32, #tpu.memory_space<vmem>>, %arg3: memref<1000x128xf32, #tpu.memory_space<vmem>>) attributes {dimension_semantics = [#tpu.dimension_semantics<arbitrary>], iteration_bounds = array<i64: 10>, scalar_prefetch = 0 : i64, scratch_operands = 0 : i64, tpu.core_type = #tpu.core_type<tc>, window_params = [{transform_indices = @transform_0, window_bounds = array<i64: 1000, 128>}, {pipeline_mode = #tpu.pipeline_mode<synchronous>, transform_indices = @transform_1, window_bounds = array<i64: 128, 128>}, {transform_indices = @transform_2, window_bounds = array<i64: 1000, 128>}]} {
    %get3A = arith.constant 0 : index
    %get3A_0 = arith.constant 0 : index
    %get3A_1 = vector.load %arg1[%get3A, %get3A_0] : memref<1000x128xf32, #tpu.memory_space<vmem>>, vector<1000x128xf32>
    %get3A_2 = arith.constant 0 : index
    %get3A_3 = arith.constant 0 : index
    %get3A_4 = vector.load %arg2[%get3A_2, %get3A_3] : memref<128x128xf32, #tpu.memory_space<vmem>>, vector<128x128xf32>
    %dot_general3A = arith.constant dense<0.000000e+00> : vector<1000x128xf32>
    %dot_general3A_5 = tpu.matmul %get3A_1, %get3A_4, %dot_general3A {dimension_numbers = #tpu.dot_dimension_numbers<[1], [0], [0], [1], [0, 0, 1, 1], [], []>, transpose_lhs_hint = false} : vector<1000x128xf32>, vector<128x128xf32>, vector<1000x128xf32> -> vector<1000x128xf32>
    %swap3A = arith.constant 0 : index
    %swap3A_6 = arith.constant 0 : index
    %swap3A_7 = vector.load %arg3[%swap3A, %swap3A_6] : memref<1000x128xf32, #tpu.memory_space<vmem>>, vector<1000x128xf32>
    tpu.vector_store %arg3[%swap3A, %swap3A_6], %dot_general3A_5 {strides = array<i32>} : memref<1000x128xf32, #tpu.memory_space<vmem>>, vector<1000x128xf32>,
    return
  }
  func.func @transform_0(%arg0: i32) -> (i32, i32) {
    %c0_i32 = arith.constant 0 : i32
    %c0_i32_0 = arith.constant 0 : i32
    return %arg0, %c0_i32 : i32, i32
  }
  func.func @transform_1(%arg0: i32) -> (i32, i32) {
    %c0_i32 = arith.constant 0 : i32
    %c0_i32_0 = arith.constant 0 : i32
    %c0_i32_1 = arith.constant 0 : i32
    return %c0_i32, %c0_i32_0 : i32, i32
  }
  func.func @transform_2(%arg0: i32) -> (i32, i32) {
    %c0_i32 = arith.constant 0 : i32
    %c0_i32_0 = arith.constant 0 : i32
    return %arg0, %c0_i32 : i32, i32
  }
}

module attributes {stable_mosaic.version = 14 : i64} {
  func.func @_add_mm_body(%arg0: i32, %arg1: memref<2x1000x128xf32, #tpu.memory_space<vmem>>, %arg2: memref<128x64xf32, #tpu.memory_space<vmem>>, %arg3: memref<1000x64xf32, #tpu.memory_space<vmem>>) attributes {dimension_semantics = [#tpu.dimension_semantics<arbitrary>], iteration_bounds = array<i64: 10>, scalar_prefetch = 0 : i64, scratch_operands = 0 : i64, tpu.core_type = #tpu.core_type<tc>, window_params = [{transform_indices = @transform_0, window_bounds = array<i64: 2, 1000, 128>}, {pipeline_mode = #tpu.pipeline_mode<synchronous>, transform_indices = @transform_1, window_bounds = array<i64: 128, 64>}, {transform_indices = @transform_2, window_bounds = array<i64: 1000, 64>}]} {
    %get3A = arith.constant 0 : index
    %get3A_0 = arith.constant 0 : index
    %get3A_1 = arith.constant 0 : index
    %get3A_2 = vector.load %arg1[%get3A, %get3A_0, %get3A_1] : memref<2x1000x128xf32, #tpu.memory_space<vmem>>, vector<1x1000x128xf32>
    %get3A_3 = vector.shape_cast %get3A_2 : vector<1x1000x128xf32> to vector<1000x128xf32>
    %get3A_4 = arith.constant 1 : index
    %get3A_5 = arith.constant 0 : index
    %get3A_6 = arith.constant 0 : index
    %get3A_7 = vector.load %arg1[%get3A_4, %get3A_5, %get3A_6] : memref<2x1000x128xf32, #tpu.memory_space<vmem>>, vector<1x1000x128xf32>
    %get3A_8 = vector.shape_cast %get3A_7 : vector<1x1000x128xf32> to vector<1000x128xf32>
    %add3A = arith.addf %get3A_3, %get3A_8 : vector<1000x128xf32>
    %get3A_9 = arith.constant 0 : index
    %get3A_10 = arith.constant 0 : index
    %get3A_11 = vector.load %arg2[%get3A_9, %get3A_10] : memref<128x64xf32, #tpu.memory_space<vmem>>, vector<128x64xf32>
    %dot_general3A = arith.constant dense<0.000000e+00> : vector<1000x64xf32>
    %dot_general3A_12 = tpu.matmul %add3A, %get3A_11, %dot_general3A {dimension_numbers = #tpu.dot_dimension_numbers<[1], [0], [0], [1], [0, 0, 1, 1], [], []>, transpose_lhs_hint = false} : vector<1000x128xf32>, vector<128x64xf32>, vector<1000x64xf32> -> vector<1000x64xf32>
    %swap3A = arith.constant 0 : index
    %swap3A_13 = arith.constant 0 : index
    %swap3A_14 = vector.load %arg3[%swap3A, %swap3A_13] : memref<1000x64xf32, #tpu.memory_space<vmem>>, vector<1000x64xf32>
    tpu.vector_store %arg3[%swap3A, %swap3A_13], %dot_general3A_12 {strides = array<i32>} : memref<1000x64xf32, #tpu.memory_space<vmem>>, vector<1000x64xf32>,
    return
  }
  func.func @transform_0(%arg0: i32) -> (i32, i32, i32) {
    %c0_i32 = arith.constant 0 : i32
    %c0_i32_0 = arith.constant 0 : i32
    %c0_i32_1 = arith.constant 0 : i32
    return %c0_i32, %arg0, %c0_i32_0 : i32, i32, i32
  }
  func.func @transform_1(%arg0: i32) -> (i32, i32) {
    %c0_i32 = arith.constant 0 : i32
    %c0_i32_0 = arith.constant 0 : i32
    %c0_i32_1 = arith.constant 0 : i32
    return %c0_i32, %c0_i32_0 : i32, i32
  }
  func.func @transform_2(%arg0: i32) -> (i32, i32) {
    %c0_i32 = arith.constant 0 : i32
    %c0_i32_0 = arith.constant 0 : i32
    return %arg0, %c0_i32 : i32, i32
  }
}

</mosaic_0001>

<sc_bundles>
// kernel: kernel.10.cloned.1.call-start
scs
__scs_entry_jumppad:
0x0: {  	(pc) =	sbr.rel $0x88, $3  }
0x1: {  	(tag) =	ssettag $0x0;
	lr =	simm.s32 $0x1  }
0x2: {  	[smem:$0x3F9D] =	sst lr;
	_ =	strace $0xD0000000  }
0x3: {  	_ = 	snop  }
0x4: {  	_ = 	snop  }
0x5: {  	_ = 	snop  }
0x6: {  	_ = 	snop  }
0x7: {  	_ = 	snop  }
__scs_overlays_trampoline_lowered:
0x8: {  	[smem:$0x3FAC] =	sst s0  }
0x9: {  	[smem:$0x3FAD] =	sst s1  }
0xa: {  	[smem:$0x3FAE] =	sst s2  }
0xb: {  	[smem:$0x3FAF] =	sst s3  }
0xc: {  	[smem:$0x3FB0] =	sst s4  }
0xd: {  	[smem:$0x3FB1] =	sst s5  }
0xe: {  	[smem:$0x3FB2] =	sst s6  }
0xf: {  	[smem:$0x3FB3] =	sst s7  }
0x10: {  	[smem:$0x3FB4] =	sst s8  }
0x11: {  	[smem:$0x3FB5] =	sst s9;
	s0 =	simm.s32 @!p0 $0x0  }
0x12: {  	s1 =	sld [smem:$0x3F9B];
	s0 =	simm.s32 @p0 $0x1  }
0x13: {  	[smem:$0x3FB6] =	sst s0;
	s0 =	simm.s32 @!p1 $0x0  }
0x14: {  	s2 =	sld [smem:$0x3F9A];
	s0 =	simm.s32 @p1 $0x1  }
0x15: {  	[smem:$0x3FB7] =	sst s0;
	s0 =	simm.s32 @!p2 $0x0  }
0x16: {  	s3 =	sld [smem:$0x3FDB];
	s0 =	simm.s32 @p2 $0x1  }
0x17: {  	s4 =	simm.s32 $0x1BF5;
	[smem:$0x3FB9] =	sst s0  }
0x18: {  	s0 =	sld [smem:$0x3F9C];
	_ =	swait.ge [sflag:s4], $0x0  }
0x19: {  	s7 =	sld [smem:$0x3F9D]  }
0x1a: {  	s8 =	sadd.s32 $0xFFFFE003, lr  }
0x1b: {  	s9 =	sadd.s32 $0xFFFFFEF7, lr;
	s5 =	simm.s32 $0xFFFFFFFF;
	p2 =	slt.u32 s8, $0xFFFFF086  }
0x1c: {  	p1 =	slt.u32 s9, $0xF7A;
	s5 =	simm.s32 @!p2 $0x0  }
0x1d: {  	s5 =	simm.s32 @p1 $0x1;
	p0 =	seq.s32 s7, s2  }
0x1e: {  	s7 =	smul.u32 @!p0 $0xF7A, s2;
	p2 =	seq.s32 @!p0 s5, $0x0  }
0x1f: {  	s9 =	smul.u32 $0xF7A, s1;
	s8 =	simm.s32 @!p0 $0x1BF5;
	p2 =	por !p2, p0  }
0x20: {  	[sflag:s8] =	ssyncset.s32 @!p0 $0xFFFFF086;
	s6 =	sadd.s32 @!p0 s3, s7;
	s7 =	simm.s32 @!p0 $0x108  }
0x21: {  	s3 =	sadd.s32 s3, s9;
	s6 =	sadd.s32 @!p0 $0x88, s6;
	s7 =	simm.s32 @p2 $0x1082  }
0x22: {  	[simem:s7], [sflag:s8] =	dma.local @!p0 [hbm:s6], $0xF7A  }
0x23: {  	s9 =	sor.u32 $0xD0000000, s2;
	s6 =	simm.s32 $0x108;
	_ =	swait.ge @!p0 [sflag:s8], $0x0  }
0x24: {  	s3 =	sadd.s32 $0x88, s3;
	s6 =	simm.s32 @!p1 $0x1082;
	[sflag:s4] =	ssyncset.s32 $0xFFFFF086  }
0x25: {  	[simem:s6], [sflag:s4] =	dma.local [hbm:s3], $0xF7A  }
0x26: {  	[smem:$0x3F9D] =	sst s1;
	(tag) =	ssettag s2;
	_ =	strace s9  }
0x27: {  	s1 =	sld [smem:$0x3FAD]  }
0x28: {  	s2 =	sld [smem:$0x3FAE]  }
0x29: {  	s4 =	sld [smem:$0x3FB0]  }
0x2a: {  	p0 =	seq.s32 s5, $0x0;
	s5 =	sld [smem:$0x3FB1]  }
0x2b: {  	s6 =	sld [smem:$0x3FB2]  }
0x2c: {  	s7 =	sld [smem:$0x3FB3]  }
0x2d: {  	s3 =	simm.s32 $0x108;
	s8 =	sld [smem:$0x3FB4]  }
0x2e: {  	s3 =	simm.s32 @!p0 $0x1082;
	s9 =	sld [smem:$0x3FB5]  }
0x2f: {  	lr =	sadd.s32 s0, s3;
	s0 =	sld [smem:$0x3FAC]  }
0x30: {  	s3 =	sld [smem:$0x3FAF]  }
0x31: {  	[smem:$0x3FB8] =	sst s10  }
0x32: {  	s10 =	sld [smem:$0x3FB6];
	_ =	sdelay $0x3  }
0x33: {  	p0 =	seq.s32 s10, $0x1;
	s10 =	sld [smem:$0x3FB8];
	_ =	sdelay $0x3  }
0x34: {  	[smem:$0x3FB8] =	sst s10  }
0x35: {  	s10 =	sld [smem:$0x3FB7];
	_ =	sdelay $0x3  }
0x36: {  	p1 =	seq.s32 s10, $0x1;
	s10 =	sld [smem:$0x3FB8];
	_ =	sdelay $0x3  }
0x37: {  	[smem:$0x3FB8] =	sst s10  }
0x38: {  	s10 =	sld [smem:$0x3FB9]  }
0x39: {  	_ = 	snop;
	(pc) =	sbr.ind lr, $3  }
0x3a: {  	_ = 	snop  }
0x3b: {  	_ = 	snop  }
0x3c: {  	p2 =	seq.s32 s10, $0x1;
	s10 =	sld [smem:$0x3FB8]  }
0x3d: {  	_ =	shalt  }
0x3e: {  	_ =	shalt  }
0x3f: {  	_ =	shalt  }
0x40: {  	_ =	shalt  }
0x41: {  	_ =	shalt  }
0x42: {  	_ =	shalt  }
0x43: {  	_ =	shalt  }
0x44: {  	_ =	shalt  }
0x45: {  	_ =	shalt  }
0x46: {  	_ =	shalt  }
0x47: {  	_ =	shalt  }
0x48: {  	_ =	shalt  }
0x49: {  	_ =	shalt  }
0x4a: {  	_ =	shalt  }
0x4b: {  	_ =	shalt  }
0x4c: {  	_ =	shalt  }
0x4d: {  	_ =	shalt  }
0x4e: {  	_ =	shalt  }
0x4f: {  	_ =	shalt  }
0x50: {  	_ =	shalt  }
0x51: {  	_ =	shalt  }
0x52: {  	_ =	shalt  }
0x53: {  	_ =	shalt  }
0x54: {  	_ =	shalt  }
0x55: {  	_ =	shalt  }
0x56: {  	_ =	shalt  }
0x57: {  	_ =	shalt  }
0x58: {  	_ =	shalt  }
0x59: {  	_ =	shalt  }
0x5a: {  	_ =	shalt  }
0x5b: {  	_ =	shalt  }
0x5c: {  	_ =	shalt  }
0x5d: {  	_ =	shalt  }
0x5e: {  	_ =	shalt  }
0x5f: {  	_ =	shalt  }
0x60: {  	_ =	shalt  }
0x61: {  	_ =	shalt  }
0x62: {  	_ =	shalt  }
0x63: {  	_ =	shalt  }
0x64: {  	_ =	shalt  }
0x65: {  	_ =	shalt  }
0x66: {  	_ =	shalt  }
0x67: {  	_ =	shalt  }
0x68: {  	_ =	shalt  }
0x69: {  	_ =	shalt  }
0x6a: {  	_ =	shalt  }
0x6b: {  	_ =	shalt  }
0x6c: {  	_ =	shalt  }
0x6d: {  	_ =	shalt  }
0x6e: {  	_ =	shalt  }
0x6f: {  	_ =	shalt  }
0x70: {  	_ =	shalt  }
0x71: {  	_ =	shalt  }
0x72: {  	_ =	shalt  }
0x73: {  	_ =	shalt  }
0x74: {  	_ =	shalt  }
0x75: {  	_ =	shalt  }
0x76: {  	_ =	shalt  }
0x77: {  	_ =	shalt  }
0x78: {  	_ =	shalt  }
0x79: {  	_ =	shalt  }
0x7a: {  	_ =	shalt  }
0x7b: {  	_ =	shalt  }
0x7c: {  	_ =	shalt  }
0x7d: {  	_ =	shalt  }
0x7e: {  	_ =	shalt  }
0x7f: {  	_ =	shalt  }
0x80: {  	_ =	shalt  }
0x81: {  	_ =	shalt  }
0x82: {  	_ =	shalt  }
0x83: {  	_ =	shalt  }
0x84: {  	_ =	shalt  }
0x85: {  	_ =	shalt  }
0x86: {  	_ =	shalt  }
0x87: {  	_ =	shalt  }
.Lfunc_end0:
.L_simem_size_0:
called_computation.1_lowered:
.L_overlay_start_0:
0x88: {  	s2 =	sld [smem:$0x3FD9]  }
0x89: {  	s3 =	sld [smem:$0x3FFE];
	_ =	sdelay $0x1  }
0x8a: {  	s1 =	srdreg.scid  }
0x8b: {  	s0 =	sand.u32 $0x1, s1  }
0x8c: {  	s17 =	sshll.u32 s0, $0xA;
	s2 =	sadd.s32 s3, s2  }
0x8d: {  	s2 =	sadd.s32 s2, s17  }
0x8e: {  	[smem:$0x3FC4] =	sst s2  }
0x8f: {  	_ = 	snop  }
0x90: {  	s2 =	sld [smem:$0x3FD0];
	(tm) =	ssettm $0x1  }
0x91: {  	s18 =	sld [smem:$0x3FFB];
	_ =	sdelay $0x3  }
0x92: {  	_ =	strace s18  }
0x93: {  	s3 =	sld [smem:$0x3FFC];
	_ =	sdelay $0x3  }
0x94: {  	_ =	strace s3  }
0x95: {  	s3 =	sld [smem:$0x3FFD];
	_ =	sdelay $0x3  }
0x96: {  	_ =	strace s3  }
0x97: {  	_ =	strace $0x8FFFFFFF  }
0x98: {  	s19 =	sld [smem:$0x3FDB];
	_ =	sdelay $0x1  }
0x99: {  	s4 =	simm.s32 $_scs_section_size  }
0x9a: {  	s5 =	simm.s32 $_size__tile_overlayer_lowered;
	s6 =	simm.s32 $_tile_overlayer_lowered  }
0x9b: {  	s22 =	simm.s32 $0x1BFF;
	s21 =	sshll.u32 s6, $0x1;
	s3 =	sadd.s32 s4, s19  }
0x9c: {  	s7 =	simm.s32 $0x0;
	s20 =	sshll.u32 s5, $0x1;
	s5 =	sadd.s32 s21, s3  }
0x9d: {  	[timem:s7], [sflag:s22] =	dma.local [hbm:s5], s20  }
0x9e: {  	_ =	swait.ge [sflag:s22], s20  }
0x9f: {  	s4 =	ssub.s32 $0x0, s20;
	[sflag:s22] =	ssyncset.done $0x0  }
0xa0: {  	[sflag:s22] =	ssyncadd.s32 s4;
	_ =	sdelay $0x1  }
0xa1: {  	s23 =	simm.s32 $0x1B8B  }
0xa2: {  	_ =	swait.ge [sflag:s23], $0x1  }
0xa3: {  	[sflag:s23] =	ssyncset.done $0x0  }
0xa4: {  	s25 =	simm.s32 $0x1B8E;
	s24 =	sld [smem:$0x3FFE];
	[sflag:s23] =	ssyncadd.s32 $0xFFFFFFFF  }
0xa5: {  	s26 =	simm.s32 $execute0_lowered;
	[smem:$0x3FD2] =	sst s25  }
0xa6: {  	s5 =	sshll.u32 s26, $0x1;
	_ =	strace $0x80000049;
	[dreg:$0x1] =	wrdreg $0xFFFFFFFF  }
0xa7: {  	s28 =	simm.s32 $_size_execute0_lowered;
	s3 =	sadd.s32 s3, s5;
	[dreg:$0x0] =	wrdreg $0x0  }
0xa8: {  	s5 =	sshll.u32 s28, $0x1;
	[dreg:$0x2] =	wrdreg s3  }
0xa9: {  	[dreg:$0x3] =	wrdreg s5  }
0xaa: {  	[dreg:$0x4] =	wrdreg $0xC0  }
0xab: {  	_ =	task [dreg:s7], $0x5FFFF  }
0xac: {  	[dreg:$0x1] =	wrdreg $0xFFFFFFFF  }
0xad: {  	[dreg:$0x0] =	wrdreg $0x60  }
0xae: {  	[dreg:$0x2] =	wrdreg s24  }
0xaf: {  	[dreg:$0x3] =	wrdreg s2  }
0xb0: {  	[dreg:$0x4] =	wrdreg $0x62000  }
0xb1: {  	[dreg:$0x5] =	wrdreg $0x9  }
0xb2: {  	_ =	task.clear_ibuf [dreg:s7], $0x6FFFF;
	_ =	strace $0x90000049  }
0xb3: {  	s29 =	simm.s32 $0x9;
	_ =	strace $0x8000004B  }
0xb4: {  	_ =	swait.ge [sflag:s29], $0x1  }
0xb5: {  	[sflag:s29] =	ssyncadd.s32 $0xFFFFFFFF  }
0xb6: {  	_ =	strace $0x9000004B  }
0xb7: {  	_ =	sfence  }
0xb8: {  	s30 =	sld [smem:$0x0];
	_ =	sdelay $0x2  }
0xb9: {  	s31 =	sshll.u32 s1, $0xD;
	s1 =	sshrl.u32 s1, $0x2  }
0xba: {  	s3 =	sand.u32 $0x4000, s31;
	s1 =	sadd.s32 s1, s30  }
0xbb: {  	s0 =	sor.u32 s3, s0;
	s1 =	sshll.u32 s1, $0x11  }
0xbc: {  	s0 =	sor.u32 s1, s0  }
0xbd: {  	s0 =	sadd.s32 $0x8F2B, s0  }
0xbe: {  	[sflag:s0] =	ssyncadd.remote.s32 $0x1  }
0xbf: {  	_ =	sfence.sel $0xFFFF  }
0xc0: {  	[dreg:$0x0] =	wrdreg $0xFFFFFFFF;
	(pc) =	sbr.abs _section_cstart, $3  }
0xc1: {  	[dreg:$0x1] =	wrdreg $0xFFFFFFFF  }
0xc2: {  	_ =	task.clear_ibuf [dreg:s7], $0x2FFFF;
	_ =	strace $0x9FFFFFFF  }
0xc3: {  	(tm) =	ssettm $0x7FFFFFFF  }
tec
execute0_lowered:
.L_overlay_start_1:
0x0: {  	(tag) =	ssettag $0x1  }
0x1: {  	s0 =	rddreg [dreg:$0x0]  }
0x2: {  	s2 =	rddreg [dreg:$0x1]  }
0x3: {  	s1 =	rddreg [dreg:$0x2]  }
0x4: {  	s3 =	srdreg.scid;
	s11 =	stileid.u32;
	s28 =	simm.s32 $0x6  }
0x5: {  	s29 =	simm.s32 $0x2A00;
	s30 =	simm.s32 $0x3;
	s7 =	smul.u32 $0x14000, s11  }
0x6: {  	s31 =	simm.s32 $0x2;
	s6 =	sand.u32 $0x1, s3;
	s23 =	smul.u32 $0x50000, s11  }
0x7: {  	s3 =	simm.s32 $0x0;
	s4 =	sadd.s32 $0xAC00, s0;
	s5 =	smul.u32 $0x140000, s6  }
0x8: {  	s10 =	sadd.s32 $0xE00, s0;
	[smem:$0x7FF] =	sst s3;
	s9 =	ssub.s32 $0x2, s6  }
0x9: {  	s8 =	sshll.u32 s6, $0x4;
	s24 =	sshrl.u32 s9, $0x1;
	s5 =	sadd.s32 s7, s5  }
0xa: {  	_ =	strace $0x8000004A;
	s9 =	ssub.s32 s9, s24;
	s5 =	sshrl.u32 s5, $0x3  }
0xb: {  	s25 =	sshrl.u32 s23, $0x2;
	s9 =	smax.u32 s9, $0x1;
	s0 =	sadd.s32 s5, s0  }
0xc: {  	s5 =	sadd.s32 s25, s1;
	[dreg:$0x6] =	wrdreg s9;
	s0 =	sadd.s32 $0x31E00, s0  }
0xd: {  	s18 =	smul.u32 $0x27100, s6;
	s14 =	sadd.s32 $0x2000, s5;
	[dreg:$0x5] =	wrdreg s0  }
0xe: {  	s22 =	sor.u32 s11, s8;
	s16 =	sadd.s32 $0x3000, s5;
	[dreg:$0x8] =	wrdreg s14  }
0xf: {  	s7 =	smul.u32 $0x2710, s22;
	s17 =	sadd.s32 $0x4000, s5;
	[dreg:$0x9] =	wrdreg s16  }
0x10: {  	s22 =	smul.u32 $0x2710, s11;
	s20 =	sadd.s32 $0x5000, s5;
	[dreg:$0xa] =	wrdreg s17  }
0x11: {  	s7 =	sshrl.u32 s7, $0x3;
	s9 =	sadd.s32 $0xA000, s5;
	[dreg:$0xb] =	wrdreg s20  }
0x12: {  	s26 =	sadd.s32 $0xA, s7;
	s11 =	sadd.s32 $0xC000, s5;
	[dreg:$0x14] =	wrdreg s9  }
0x13: {  	s12 =	sadd.s32 s10, s7;
	s13 =	sadd.s32 s10, s26;
	[dreg:$0x16] =	wrdreg s11  }
0x14: {  	s21 =	sadd.s32 $0x14, s7;
	s8 =	sadd.s32 s2, s26;
	[dreg:$0x4] =	wrdreg s13  }
0x15: {  	s15 =	sadd.s32 s2, s7;
	s23 =	sadd.s32 s10, s21;
	[dreg:$0xc] =	wrdreg s8  }
0x16: {  	s7 =	sadd.s32 $0x4D8, s7;
	s6 =	sadd.s32 s2, s21;
	[dreg:$0xd] =	wrdreg s23  }
0x17: {  	s19 =	sadd.s32 s10, s7;
	s24 =	sadd.s32 s2, s7;
	[dreg:$0xe] =	wrdreg s6  }
0x18: {  	s0 =	sadd.s32 s22, s18;
	s14 =	sadd.s32 $0xE000, s5;
	[dreg:$0xf] =	wrdreg s24  }
0x19: {  	s16 =	sadd.s32 $0xF000, s5;
	s17 =	sadd.s32 $0x10000, s5;
	[dreg:$0x18] =	wrdreg s14  }
0x1a: {  	s18 =	sadd.s32 $0x11000, s5;
	s20 =	sadd.s32 $0x12000, s5;
	[dreg:$0x19] =	wrdreg s16  }
0x1b: {  	s13 =	sadd.s32 $0x1000, s5;
	s25 =	sadd.s32 $0x190, s0;
	[dreg:$0x1a] =	wrdreg s17  }
0x1c: {  	s26 =	sadd.s32 $0x140, s0;
	s0 =	sadd.s32 $0xF0, s0;
	[dreg:$0x1b] =	wrdreg s18  }
0x1d: {  	s8 =	sadd.s32 $0x9000, s5;
	[dreg:$0x1c] =	wrdreg s20;
	s14 =	smov.u32 s15  }
0x1e: {  	s15 =	sadd.s32 $0x4CE, s15;
	s16 =	simm.s32 $0x80;
	s17 =	simm.s32 $0x100  }
0x1f: {  	s18 =	simm.s32 $0x50;
	s20 =	simm.s32 $0x200;
	[dreg:$0x7] =	wrdreg s13  }
0x20: {  	s6 =	sshrl.u32 s25, $0x3;
	s7 =	sshrl.u32 s26, $0x3;
	s0 =	sshrl.u32 s0, $0x3  }
0x21: {  	[dreg:$0x13] =	wrdreg s8;
	s13 =	sadd.s32 $0xD000, s5;
	s25 =	sadd.s32 $0x13000, s5  }
0x22: {  	s26 =	sadd.s32 $0x1E, s12;
	s8 =	simm.s32 $0x0;
	[dreg:$0x17] =	wrdreg s13  }
0x23: {  	s21 =	sadd.s32 s6, s10;
	s23 =	sadd.s32 s7, s2;
	[dreg:$0x1d] =	wrdreg s25  }
0x24: {  	s24 =	sadd.s32 s0, s2;
	s2 =	sadd.s32 $0x6000, s5;
	[dreg:$0x1e] =	wrdreg s26  }
0x25: {  	s22 =	sadd.s32 s7, s10;
	s6 =	sadd.s32 $0x7000, s5;
	[dreg:$0x10] =	wrdreg s2  }
0x26: {  	s7 =	sadd.s32 $0x8000, s5;
	s10 =	sadd.s32 $0xB000, s5;
	[dreg:$0x11] =	wrdreg s6  }
0x27: {  	s13 =	smov.u32 s12;
	s25 =	simm.s32 $0x180;
	[dreg:$0x12] =	wrdreg s7  }
0x28: {  	s26 =	simm.s32 $0x1;
	s0 =	simm.s32 $0x4;
	[dreg:$0x15] =	wrdreg s10  }
0x29: {  	v0 =	vimm.f32 $0.0e+00;
	s6 =	simm.s32 $0x5200;
	s7 =	simm.s32 $0x5;
	s2 =	simm.s32 $0x7  }
.LBB2_1:
0x2a: {  	s9 =	sand.u32 $0x3E00, s3  }
0x2b: {  	s10 =	sand.u32 $0x70, s3;
	s11 =	sshrl.u32 s9, $0x2  }
0x2c: {  	s9 =	simm.s32 $0x40;
	s11 =	sor.u32 s10, s11;
	s10 =	simm.s32 $0x0  }
.LBB2_2:
0x2d: {  	p0 =	sne.s32 s9, $0x3FC0  }
0x2e: {  	[tilespmem:s11+$0x5200] =	vst v0;
	s10 =	sadd.s32 $0x10, s10;
	s11 =	smov.u32 s9;
	s9 =	sadd.s32 $0x40, s9  }
.Ltmp0:
0x2f: {  	(pc) =	sbr.rel @p0 .LBB2_2-.Ltmp0, $4  }
0x30: {  	_ = 	snop  }
0x31: {  	s11 =	sand.u32 $0x3E00, s11  }
0x32: {  	s12 =	sand.u32 $0x70, s10;
	s11 =	sshrl.u32 s11, $0x2  }
0x33: {  	s11 =	sor.u32 s12, s11  }
0x34: {  	[tilespmem:s11+$0x5200] =	vst v0  }
0x35: {  	[spmem:s5] =	stream.linear.scatter [tilespmem:s6], [sflag:$0x5], $0x1000, $0x38;
	[tilespmem:$0x1A200] =	vst v63  }
0x36: {  	s9 =	rddreg [dreg:$0x7]  }
0x37: {  	[spmem:s9] =	stream.linear.scatter [tilespmem:s6], [sflag:$0x5], $0x1000, $0x38;
	[tilespmem:$0x1A200] =	vst v63  }
0x38: {  	s12 =	rddreg [dreg:$0x8]  }
0x39: {  	[spmem:s12] =	stream.linear.scatter [tilespmem:s6], [sflag:$0x5], $0x1000, $0x38;
	[tilespmem:$0x1A200] =	vst v63  }
0x3a: {  	s10 =	rddreg [dreg:$0x9]  }
0x3b: {  	[spmem:s10] =	stream.linear.scatter [tilespmem:s6], [sflag:$0x5], $0x1000, $0x38;
	[tilespmem:$0x1A200] =	vst v63  }
0x3c: {  	s11 =	rddreg [dreg:$0xa]  }
0x3d: {  	[spmem:s11] =	stream.linear.scatter [tilespmem:s6], [sflag:$0x5], $0x1000, $0x38;
	[tilespmem:$0x1A200] =	vst v63  }
0x3e: {  	s12 =	rddreg [dreg:$0xb]  }
0x3f: {  	[spmem:s12] =	stream.linear.scatter [tilespmem:s6], [sflag:$0x5], $0x1000, $0x38;
	[tilespmem:$0x1A200] =	vst v63  }
0x40: {  	s10 =	rddreg [dreg:$0x10]  }
0x41: {  	[spmem:s10] =	stream.linear.scatter [tilespmem:s6], [sflag:$0x5], $0x1000, $0x38;
	[tilespmem:$0x1A200] =	vst v63  }
0x42: {  	s11 =	rddreg [dreg:$0x11]  }
0x43: {  	[spmem:s11] =	stream.linear.scatter [tilespmem:s6], [sflag:$0x5], $0x1000, $0x38;
	[tilespmem:$0x1A200] =	vst v63  }
0x44: {  	s12 =	rddreg [dreg:$0x12]  }
0x45: {  	[spmem:s12] =	stream.linear.scatter [tilespmem:s6], [sflag:$0x5], $0x1000, $0x38;
	[tilespmem:$0x1A200] =	vst v63  }
0x46: {  	s10 =	rddreg [dreg:$0x13]  }
0x47: {  	[spmem:s10] =	stream.linear.scatter [tilespmem:s6], [sflag:$0x5], $0x1000, $0x38;
	[tilespmem:$0x1A200] =	vst v63  }
0x48: {  	s11 =	rddreg [dreg:$0x14]  }
0x49: {  	[spmem:s11] =	stream.linear.scatter [tilespmem:s6], [sflag:$0x5], $0x1000, $0x38;
	[tilespmem:$0x1A200] =	vst v63  }
0x4a: {  	s12 =	rddreg [dreg:$0x15]  }
0x4b: {  	[spmem:s12] =	stream.linear.scatter [tilespmem:s6], [sflag:$0x5], $0x1000, $0x38;
	[tilespmem:$0x1A200] =	vst v63  }
0x4c: {  	s10 =	rddreg [dreg:$0x16]  }
0x4d: {  	[spmem:s10] =	stream.linear.scatter [tilespmem:s6], [sflag:$0x5], $0x1000, $0x38;
	[tilespmem:$0x1A200] =	vst v63  }
0x4e: {  	s11 =	rddreg [dreg:$0x17]  }
0x4f: {  	[spmem:s11] =	stream.linear.scatter [tilespmem:s6], [sflag:$0x5], $0x1000, $0x38;
	[tilespmem:$0x1A200] =	vst v63  }
0x50: {  	s12 =	rddreg [dreg:$0x18]  }
0x51: {  	[spmem:s12] =	stream.linear.scatter [tilespmem:s6], [sflag:$0x5], $0x1000, $0x38;
	[tilespmem:$0x1A200] =	vst v63  }
0x52: {  	s10 =	rddreg [dreg:$0x19]  }
0x53: {  	[spmem:s10] =	stream.linear.scatter [tilespmem:s6], [sflag:$0x5], $0x1000, $0x38;
	[tilespmem:$0x1A200] =	vst v63  }
0x54: {  	s11 =	rddreg [dreg:$0x1a]  }
0x55: {  	[spmem:s11] =	stream.linear.scatter [tilespmem:s6], [sflag:$0x5], $0x1000, $0x38;
	[tilespmem:$0x1A200] =	vst v63  }
0x56: {  	s12 =	rddreg [dreg:$0x1b]  }
0x57: {  	[spmem:s12] =	stream.linear.scatter [tilespmem:s6], [sflag:$0x5], $0x1000, $0x38;
	[tilespmem:$0x1A200] =	vst v63  }
0x58: {  	s10 =	rddreg [dreg:$0x1c]  }
0x59: {  	[spmem:s10] =	stream.linear.scatter [tilespmem:s6], [sflag:$0x5], $0x1000, $0x38;
	[tilespmem:$0x1A200] =	vst v63  }
0x5a: {  	s11 =	rddreg [dreg:$0x1d]  }
0x5b: {  	[spmem:s11] =	stream.linear.scatter [tilespmem:s6], [sflag:$0x5], $0x1000, $0x38;
	[tilespmem:$0x1A200] =	vst v63  }
0x5c: {  	_ =	swait.ge [sflag:s7], $0x1000  }
0x5d: {  	[sflag:s7] =	ssyncset.done $0x0  }
0x5e: {  	[sflag:s7] =	ssyncadd.s32 $0xFFFFF000  }
0x5f: {  	_ =	swait.ge [sflag:s7], $0x1000  }
0x60: {  	[sflag:s7] =	ssyncset.done $0x0  }
0x61: {  	[sflag:s7] =	ssyncadd.s32 $0xFFFFF000  }
0x62: {  	_ =	swait.ge [sflag:s7], $0x1000  }
0x63: {  	[sflag:s7] =	ssyncset.done $0x0  }
0x64: {  	[sflag:s7] =	ssyncadd.s32 $0xFFFFF000  }
0x65: {  	_ =	swait.ge [sflag:s7], $0x1000  }
0x66: {  	[sflag:s7] =	ssyncset.done $0x0  }
0x67: {  	[sflag:s7] =	ssyncadd.s32 $0xFFFFF000  }
0x68: {  	_ =	swait.ge [sflag:s7], $0x1000  }
0x69: {  	[sflag:s7] =	ssyncset.done $0x0  }
0x6a: {  	[sflag:s7] =	ssyncadd.s32 $0xFFFFF000  }
0x6b: {  	_ =	swait.ge [sflag:s7], $0x1000  }
0x6c: {  	[sflag:s7] =	ssyncset.done $0x0  }
0x6d: {  	[sflag:s7] =	ssyncadd.s32 $0xFFFFF000  }
0x6e: {  	_ =	swait.ge [sflag:s7], $0x1000  }
0x6f: {  	[sflag:s7] =	ssyncset.done $0x0  }
0x70: {  	[sflag:s7] =	ssyncadd.s32 $0xFFFFF000  }
0x71: {  	_ =	swait.ge [sflag:s7], $0x1000  }
0x72: {  	[sflag:s7] =	ssyncset.done $0x0  }
0x73: {  	[sflag:s7] =	ssyncadd.s32 $0xFFFFF000  }
0x74: {  	_ =	swait.ge [sflag:s7], $0x1000  }
0x75: {  	[sflag:s7] =	ssyncset.done $0x0  }
0x76: {  	[sflag:s7] =	ssyncadd.s32 $0xFFFFF000  }
0x77: {  	_ =	swait.ge [sflag:s7], $0x1000  }
0x78: {  	[sflag:s7] =	ssyncset.done $0x0  }
0x79: {  	[sflag:s7] =	ssyncadd.s32 $0xFFFFF000  }
0x7a: {  	_ =	swait.ge [sflag:s7], $0x1000  }
0x7b: {  	[sflag:s7] =	ssyncset.done $0x0  }
0x7c: {  	[sflag:s7] =	ssyncadd.s32 $0xFFFFF000  }
0x7d: {  	_ =	swait.ge [sflag:s7], $0x1000  }
0x7e: {  	[sflag:s7] =	ssyncset.done $0x0  }
0x7f: {  	[sflag:s7] =	ssyncadd.s32 $0xFFFFF000  }
0x80: {  	_ =	swait.ge [sflag:s7], $0x1000  }
0x81: {  	[sflag:s7] =	ssyncset.done $0x0  }
0x82: {  	[sflag:s7] =	ssyncadd.s32 $0xFFFFF000  }
0x83: {  	_ =	swait.ge [sflag:s7], $0x1000  }
0x84: {  	[sflag:s7] =	ssyncset.done $0x0  }
0x85: {  	[sflag:s7] =	ssyncadd.s32 $0xFFFFF000  }
0x86: {  	_ =	swait.ge [sflag:s7], $0x1000  }
0x87: {  	[sflag:s7] =	ssyncset.done $0x0  }
0x88: {  	[sflag:s7] =	ssyncadd.s32 $0xFFFFF000  }
0x89: {  	_ =	swait.ge [sflag:s7], $0x1000  }
0x8a: {  	[sflag:s7] =	ssyncset.done $0x0  }
0x8b: {  	[sflag:s7] =	ssyncadd.s32 $0xFFFFF000  }
0x8c: {  	_ =	swait.ge [sflag:s7], $0x1000  }
0x8d: {  	[sflag:s7] =	ssyncset.done $0x0  }
0x8e: {  	[sflag:s7] =	ssyncadd.s32 $0xFFFFF000  }
0x8f: {  	_ =	swait.ge [sflag:s7], $0x1000  }
0x90: {  	[sflag:s7] =	ssyncset.done $0x0  }
0x91: {  	[sflag:s7] =	ssyncadd.s32 $0xFFFFF000  }
0x92: {  	_ =	swait.ge [sflag:s7], $0x1000  }
0x93: {  	[sflag:s7] =	ssyncset.done $0x0  }
0x94: {  	[sflag:s7] =	ssyncadd.s32 $0xFFFFF000  }
0x95: {  	_ =	swait.ge [sflag:s7], $0x1000  }
0x96: {  	[sflag:s7] =	ssyncset.done $0x0  }
0x97: {  	[sflag:s7] =	ssyncadd.s32 $0xFFFFF000  }
0x98: {  	s9 =	simm.s32 $0x0;
	[bflag:$0x0] =	sbarrier.arrive $0xFFFF  }
0x99: {  	[tilespmem:s9], [sflag:$0x5] =	stream.linear.gather [hbm4b:s13+s9], $0x50, $0x38;
	[tilespmem:$0x1A200] =	vst v63  }
0x9a: {  	_ = 	snop  }
0x9b: {  	[tilespmem:s16], [sflag:$0x5] =	stream.linear.gather [hbm4b:s14+s9], $0x50, $0x38;
	[tilespmem:$0x1A200] =	vst v63  }
0x9c: {  	s10 =	rddreg [dreg:$0x4]  }
0x9d: {  	[tilespmem:s17], [sflag:$0x6] =	stream.linear.gather [hbm4b:s10+s9], $0x50, $0x38;
	[tilespmem:$0x1A200] =	vst v63  }
0x9e: {  	_ =	swait.ge [sflag:s7], $0x50  }
0x9f: {  	[sflag:s7] =	ssyncset.done $0x0  }
0xa0: {  	[sflag:s7] =	ssyncadd.s32 $0xFFFFFFB0  }
0xa1: {  	_ =	swait.ge [sflag:s7], $0x50  }
0xa2: {  	[sflag:s7] =	ssyncset.done $0x0  }
0xa3: {  	[sflag:s7] =	ssyncadd.s32 $0xFFFFFFB0  }
0xa4: {  	[tilespmem:s20], [sflag:$0x1] =	stream.indirect.gather [hbm4b:s4+s18], $0x80, s9, s18, $0xb8;
	[tilespmem:$0x1A200] =	vst v63  }
0xa5: {  	s12 =	rddreg [dreg:$0xc]  }
0xa6: {  	[tilespmem:s25], [sflag:$0x6] =	stream.linear.gather [hbm4b:s12+s9], $0x50, $0x38;
	[tilespmem:$0x1A200] =	vst v63  }
0xa7: {  	_ =	swait.ge [sflag:s26], $0x2800  }
0xa8: {  	[sflag:s26] =	ssyncset.done $0x0  }
0xa9: {  	s11 =	rddreg [dreg:$0xd];
	[sflag:s26] =	ssyncadd.s32 $0xFFFFD800  }
0xaa: {  	[tilespmem:s9], [sflag:$0x5] =	stream.linear.gather [hbm4b:s11+s9], $0x50, $0x38;
	[tilespmem:$0x1A200] =	vst v63  }
0xab: {  	_ = 	snop  }
0xac: {  	[spmem:s1] =	stream.indirect.scatter.add.f32 [tilespmem:s20], [sflag:$0x3], $0x80, s16, s18, $0xb8;
	[tilespmem:$0x1A200] =	vst v63  }
0xad: {  	_ =	swait.ge [sflag:s28], $0x50  }
0xae: {  	[sflag:s28] =	ssyncset.done $0x0  }
0xaf: {  	[sflag:s28] =	ssyncadd.s32 $0xFFFFFFB0  }
0xb0: {  	_ =	swait.ge [sflag:s28], $0x50  }
0xb1: {  	[sflag:s28] =	ssyncset.done $0x0  }
0xb2: {  	[sflag:s28] =	ssyncadd.s32 $0xFFFFFFB0  }
0xb3: {  	[tilespmem:s29], [sflag:$0x2] =	stream.indirect.gather [hbm4b:s4+s18], $0x80, s17, s18, $0xb8;
	[tilespmem:$0x1A200] =	vst v63  }
0xb4: {  	_ =	swait.ge [sflag:s30], $0x2800  }
0xb5: {  	[sflag:s30] =	ssyncset.done $0x0  }
0xb6: {  	s12 =	rddreg [dreg:$0xe];
	[sflag:s30] =	ssyncadd.s32 $0xFFFFD800  }
0xb7: {  	[tilespmem:s16], [sflag:$0x5] =	stream.linear.gather [hbm4b:s12+s9], $0x50, $0x38;
	[tilespmem:$0x1A200] =	vst v63  }
0xb8: {  	_ =	swait.ge [sflag:s31], $0x2800  }
0xb9: {  	[sflag:s31] =	ssyncset.done $0x0  }
0xba: {  	s11 =	rddreg [dreg:$0x1e];
	[sflag:s31] =	ssyncadd.s32 $0xFFFFD800  }
0xbb: {  	[tilespmem:s17], [sflag:$0x6] =	stream.linear.gather [hbm4b:s11+s9], $0x50, $0x38;
	[tilespmem:$0x1A200] =	vst v63  }
0xbc: {  	_ = 	snop  }
0xbd: {  	[spmem:s1] =	stream.indirect.scatter.add.f32 [tilespmem:s29], [sflag:$0x4], $0x80, s25, s18, $0xb8;
	[tilespmem:$0x1A200] =	vst v63  }
0xbe: {  	_ =	swait.ge [sflag:s7], $0x50  }
0xbf: {  	[sflag:s7] =	ssyncset.done $0x0  }
0xc0: {  	[sflag:s7] =	ssyncadd.s32 $0xFFFFFFB0  }
0xc1: {  	_ =	swait.ge [sflag:s7], $0x50  }
0xc2: {  	[sflag:s7] =	ssyncset.done $0x0  }
0xc3: {  	[sflag:s7] =	ssyncadd.s32 $0xFFFFFFB0  }
0xc4: {  	[tilespmem:s20], [sflag:$0x1] =	stream.indirect.gather [hbm4b:s4+s18], $0x80, s9, s18, $0xb8;
	[tilespmem:$0x1A200] =	vst v63  }
0xc5: {  	_ =	swait.ge [sflag:s0], $0x2800  }
0xc6: {  	[sflag:s0] =	ssyncset.done $0x0  }
0xc7: {  	s12 =	sadd.s32 $0x0, s24;
	[sflag:s0] =	ssyncadd.s32 $0xFFFFD800  }
0xc8: {  	[tilespmem:s25], [sflag:$0x6] =	stream.linear.gather [hbm4b:s12+s3], $0x50, $0x38;
	[tilespmem:$0x1A200] =	vst v63  }
0xc9: {  	_ =	swait.ge [sflag:s26], $0x2800  }
0xca: {  	[sflag:s26] =	ssyncset.done $0x0  }
0xcb: {  	s10 =	sadd.s32 $0x0, s22;
	[sflag:s26] =	ssyncadd.s32 $0xFFFFD800  }
0xcc: {  	[tilespmem:s3], [sflag:$0x5] =	stream.linear.gather [hbm4b:s10+s3], $0x50, $0x38;
	[tilespmem:$0x1A200] =	vst v63  }
0xcd: {  	_ = 	snop  }
0xce: {  	[spmem:s1] =	stream.indirect.scatter.add.f32 [tilespmem:s20], [sflag:$0x3], $0x80, s16, s18, $0xb8;
	[tilespmem:$0x1A200] =	vst v63  }
0xcf: {  	_ =	swait.ge [sflag:s28], $0x50  }
0xd0: {  	[sflag:s28] =	ssyncset.done $0x0  }
0xd1: {  	[sflag:s28] =	ssyncadd.s32 $0xFFFFFFB0  }
0xd2: {  	_ =	swait.ge [sflag:s28], $0x50  }
0xd3: {  	[sflag:s28] =	ssyncset.done $0x0  }
0xd4: {  	[sflag:s28] =	ssyncadd.s32 $0xFFFFFFB0  }
0xd5: {  	[tilespmem:s29], [sflag:$0x2] =	stream.indirect.gather [hbm4b:s4+s18], $0x80, s17, s18, $0xb8;
	[tilespmem:$0x1A200] =	vst v63  }
0xd6: {  	_ =	swait.ge [sflag:s30], $0x2800  }
0xd7: {  	[sflag:s30] =	ssyncset.done $0x0  }
0xd8: {  	s11 =	sadd.s32 $0x0, s23;
	[sflag:s30] =	ssyncadd.s32 $0xFFFFD800  }
0xd9: {  	[tilespmem:s16], [sflag:$0x5] =	stream.linear.gather [hbm4b:s11+s3], $0x50, $0x38;
	[tilespmem:$0x1A200] =	vst v63  }
0xda: {  	_ =	swait.ge [sflag:s31], $0x2800  }
0xdb: {  	[sflag:s31] =	ssyncset.done $0x0  }
0xdc: {  	s12 =	sadd.s32 $0x0, s21;
	[sflag:s31] =	ssyncadd.s32 $0xFFFFD800  }
0xdd: {  	[tilespmem:s17], [sflag:$0x6] =	stream.linear.gather [hbm4b:s12+s3], $0x50, $0x38;
	[tilespmem:$0x1A200] =	vst v63  }
0xde: {  	_ = 	snop  }
0xdf: {  	[spmem:s1] =	stream.indirect.scatter.add.f32 [tilespmem:s29], [sflag:$0x4], $0x80, s25, s18, $0xb8;
	[tilespmem:$0x1A200] =	vst v63  }
0xe0: {  	_ =	swait.ge [sflag:s7], $0x50  }
0xe1: {  	[sflag:s7] =	ssyncset.done $0x0  }
0xe2: {  	[sflag:s7] =	ssyncadd.s32 $0xFFFFFFB0  }
0xe3: {  	_ =	swait.ge [sflag:s7], $0x50  }
0xe4: {  	[sflag:s7] =	ssyncset.done $0x0  }
0xe5: {  	s9 =	simm.s32 $0x14;
	[sflag:s7] =	ssyncadd.s32 $0xFFFFFFB0  }
.LBB2_4:
0xe6: {  	[tilespmem:s20], [sflag:$0x1] =	stream.indirect.gather [hbm4b:s4+s18], $0x80, s3, s18, $0xb8;
	[tilespmem:$0x1A200] =	vst v63  }
0xe7: {  	s10 =	smov.u32 s9  }
0xe8: {  	p0 =	sne.s32 s9, $0x49C;
	s9 =	sadd.s32 $0x14, s9;
	_ =	swait.ge [sflag:s0], $0x2800  }
0xe9: {  	[sflag:s0] =	ssyncset.done $0x0  }
0xea: {  	s11 =	sadd.s32 s10, s24;
	[sflag:s0] =	ssyncadd.s32 $0xFFFFD800  }
0xeb: {  	[tilespmem:s25], [sflag:$0x6] =	stream.linear.gather [hbm4b:s11+s3], $0x50, $0x38;
	[tilespmem:$0x1A200] =	vst v63  }
0xec: {  	_ =	swait.ge [sflag:s26], $0x2800  }
0xed: {  	[sflag:s26] =	ssyncset.done $0x0  }
0xee: {  	s11 =	sadd.s32 s10, s22;
	[sflag:s26] =	ssyncadd.s32 $0xFFFFD800  }
0xef: {  	[tilespmem:s3], [sflag:$0x5] =	stream.linear.gather [hbm4b:s11+s3], $0x50, $0x38;
	[tilespmem:$0x1A200] =	vst v63  }
0xf0: {  	_ = 	snop  }
0xf1: {  	[spmem:s1] =	stream.indirect.scatter.add.f32 [tilespmem:s20], [sflag:$0x3], $0x80, s16, s18, $0xb8;
	[tilespmem:$0x1A200] =	vst v63  }
0xf2: {  	_ =	swait.ge [sflag:s28], $0x50  }
0xf3: {  	[sflag:s28] =	ssyncset.done $0x0  }
0xf4: {  	[sflag:s28] =	ssyncadd.s32 $0xFFFFFFB0  }
0xf5: {  	_ =	swait.ge [sflag:s28], $0x50  }
0xf6: {  	[sflag:s28] =	ssyncset.done $0x0  }
0xf7: {  	[sflag:s28] =	ssyncadd.s32 $0xFFFFFFB0  }
0xf8: {  	[tilespmem:s29], [sflag:$0x2] =	stream.indirect.gather [hbm4b:s4+s18], $0x80, s17, s18, $0xb8;
	[tilespmem:$0x1A200] =	vst v63  }
0xf9: {  	_ =	swait.ge [sflag:s30], $0x2800  }
0xfa: {  	[sflag:s30] =	ssyncset.done $0x0  }
0xfb: {  	s11 =	sadd.s32 s10, s23;
	[sflag:s30] =	ssyncadd.s32 $0xFFFFD800  }
0xfc: {  	[tilespmem:s16], [sflag:$0x5] =	stream.linear.gather [hbm4b:s11+s3], $0x50, $0x38;
	[tilespmem:$0x1A200] =	vst v63  }
0xfd: {  	_ =	swait.ge [sflag:s31], $0x2800  }
0xfe: {  	[sflag:s31] =	ssyncset.done $0x0  }
0xff: {  	s10 =	sadd.s32 s10, s21;
	[sflag:s31] =	ssyncadd.s32 $0xFFFFD800  }
0x100: {  	[tilespmem:s17], [sflag:$0x6] =	stream.linear.gather [hbm4b:s10+s3], $0x50, $0x38;
	[tilespmem:$0x1A200] =	vst v63  }
0x101: {  	_ = 	snop  }
0x102: {  	[spmem:s1] =	stream.indirect.scatter.add.f32 [tilespmem:s29], [sflag:$0x4], $0x80, s25, s18, $0xb8;
	[tilespmem:$0x1A200] =	vst v63  }
0x103: {  	_ =	swait.ge [sflag:s7], $0x50  }
.Ltmp1:
0x104: {  	[sflag:s7] =	ssyncset.done $0x0;
	(pc) =	sbr.rel @p0 .LBB2_4-.Ltmp1, $4  }
0x105: {  	[sflag:s7] =	ssyncadd.s32 $0xFFFFFFB0  }
0x106: {  	_ =	swait.ge [sflag:s7], $0x50  }
0x107: {  	[sflag:s7] =	ssyncset.done $0x0  }
0x108: {  	[sflag:s7] =	ssyncadd.s32 $0xFFFFFFB0  }
0x109: {  	[tilespmem:s20], [sflag:$0x1] =	stream.indirect.gather [hbm4b:s4+s18], $0x80, s3, s18, $0xb8;
	[tilespmem:$0x1A200] =	vst v63  }
0x10a: {  	_ =	swait.ge [sflag:s0], $0x2800  }
0x10b: {  	[sflag:s0] =	ssyncset.done $0x0  }
0x10c: {  	[sflag:s0] =	ssyncadd.s32 $0xFFFFD800  }
0x10d: {  	[tilespmem:s25], [sflag:$0x6] =	stream.linear.gather [hbm4b:s15+s3], $0x50, $0x38;
	[tilespmem:$0x1A200] =	vst v63  }
0x10e: {  	_ =	swait.ge [sflag:s26], $0x2800  }
0x10f: {  	[sflag:s26] =	ssyncset.done $0x0  }
0x110: {  	[sflag:s26] =	ssyncadd.s32 $0xFFFFD800  }
0x111: {  	[tilespmem:s3], [sflag:$0x5] =	stream.linear.gather [hbm4b:s19+s3], $0x50, $0x38;
	[tilespmem:$0x1A200] =	vst v63  }
0x112: {  	_ = 	snop  }
0x113: {  	[spmem:s1] =	stream.indirect.scatter.add.f32 [tilespmem:s20], [sflag:$0x3], $0x80, s16, s18, $0xb8;
	[tilespmem:$0x1A200] =	vst v63  }
0x114: {  	_ =	swait.ge [sflag:s28], $0x50  }
0x115: {  	[sflag:s28] =	ssyncset.done $0x0  }
0x116: {  	[sflag:s28] =	ssyncadd.s32 $0xFFFFFFB0  }
0x117: {  	_ =	swait.ge [sflag:s28], $0x50  }
0x118: {  	[sflag:s28] =	ssyncset.done $0x0  }
0x119: {  	[sflag:s28] =	ssyncadd.s32 $0xFFFFFFB0  }
0x11a: {  	[tilespmem:s29], [sflag:$0x2] =	stream.indirect.gather [hbm4b:s4+s18], $0x80, s17, s18, $0xb8;
	[tilespmem:$0x1A200] =	vst v63  }
0x11b: {  	_ =	swait.ge [sflag:s30], $0x2800  }
0x11c: {  	[sflag:s30] =	ssyncset.done $0x0  }
0x11d: {  	s9 =	rddreg [dreg:$0xf];
	[sflag:s30] =	ssyncadd.s32 $0xFFFFD800  }
0x11e: {  	[tilespmem:s16], [sflag:$0x5] =	stream.linear.gather [hbm4b:s9+s3], $0x50, $0x38;
	[tilespmem:$0x1A200] =	vst v63  }
0x11f: {  	_ =	swait.ge [sflag:s31], $0x2800  }
0x120: {  	[sflag:s31] =	ssyncset.done $0x0  }
0x121: {  	[sflag:s31] =	ssyncadd.s32 $0xFFFFD800  }
0x122: {  	[tilespmem:s17], [sflag:$0x6] =	stream.linear.gather [hbm4b:s19+s3], $0x50, $0x38;
	[tilespmem:$0x1A200] =	vst v63  }
0x123: {  	_ = 	snop  }
0x124: {  	[spmem:s1] =	stream.indirect.scatter.add.f32 [tilespmem:s29], [sflag:$0x4], $0x80, s25, s18, $0xb8;
	[tilespmem:$0x1A200] =	vst v63  }
0x125: {  	_ =	swait.ge [sflag:s7], $0x50  }
0x126: {  	[sflag:s7] =	ssyncset.done $0x0  }
0x127: {  	[sflag:s7] =	ssyncadd.s32 $0xFFFFFFB0  }
0x128: {  	_ =	swait.ge [sflag:s7], $0x50  }
0x129: {  	[sflag:s7] =	ssyncset.done $0x0  }
0x12a: {  	[sflag:s7] =	ssyncadd.s32 $0xFFFFFFB0  }
0x12b: {  	[tilespmem:s20], [sflag:$0x1] =	stream.indirect.gather [hbm4b:s4+s18], $0x80, s3, s18, $0xb8;
	[tilespmem:$0x1A200] =	vst v63  }
0x12c: {  	_ =	swait.ge [sflag:s0], $0x2800  }
0x12d: {  	[sflag:s0] =	ssyncset.done $0x0  }
0x12e: {  	[sflag:s0] =	ssyncadd.s32 $0xFFFFD800  }
0x12f: {  	_ =	swait.ge [sflag:s28], $0x50  }
0x130: {  	[sflag:s28] =	ssyncset.done $0x0  }
0x131: {  	[sflag:s28] =	ssyncadd.s32 $0xFFFFFFB0  }
0x132: {  	_ =	swait.ge [sflag:s26], $0x2800  }
0x133: {  	[sflag:s26] =	ssyncset.done $0x0  }
0x134: {  	[sflag:s26] =	ssyncadd.s32 $0xFFFFD800  }
0x135: {  	[spmem:s1] =	stream.indirect.scatter.add.f32 [tilespmem:s20], [sflag:$0x7], $0x80, s16, s18, $0xb8;
	[tilespmem:$0x1A200] =	vst v63  }
0x136: {  	_ =	swait.ge [sflag:s2], $0x2800  }
0x137: {  	[sflag:s2] =	ssyncset.done $0x0  }
0x138: {  	s11 =	stileid.u32;
	[sflag:s2] =	ssyncadd.s32 $0xFFFFD800  }
0x139: {  	s9 =	sshll.u32 s11, $0x6;
	[bflag:$0x0] =	sbarrier.arrive $0xFFFF  }
0x13a: {  	s10 =	sshrl.u32 s5, $0x3;
	s9 =	sor.u32 $0x1C07, s9;
	s11 =	rddreg [dreg:$0x5]  }
0x13b: {  	[hbm:s11], [sflag:s9] =	dma.local [spmem:s10], $0x2800  }
0x13c: {  	_ =	swait.ge [sflag:s2], $0x2800  }
0x13d: {  	s8 =	sadd.s32 $0x1, s8;
	s12 =	rddreg [dreg:$0x6]  }
0x13e: {  	p0 =	sne.s32 s8, s12  }
.Ltmp2:
0x13f: {  	_ = 	snop;
	(pc) =	sbr.rel @p0 .LBB2_1-.Ltmp2, $3  }
0x140: {  	_ =	sdelay $0x1  }
0x141: {  	[sflag:s2] =	ssyncset.done $0x0  }
0x142: {  	[sflag:s2] =	ssyncadd.s32 $0xFFFFD800  }
0x143: {  	_ =	sfence.sel $0x180000  }
0x144: {  	[bflag:$0x0] =	sbarrier.arrive $0xFFFF  }
0x145: {  	_ =	strace $0x9000004A  }
0x146: {  	s0 =	stileid.u32;
	[bflag:$0x2] =	sbarrier.arrive $0xFFFF  }
0x147: {  	p0 =	sne.s32 s0, $0x0;
	s0 =	rddreg [dreg:$0x3]  }
0x148: {  	s0 =	sadd.s32 @!p0 $0x100000, s0  }
0x149: {  	[sflag:s0] =	ssyncadd.tile.s32 @!p0 $0x1;
	_ =	shalt  }
.Lfunc_end2:
_tile_overlayer_lowered:
.L_overlay_start_2:
0x14a: {  	(tag) =	ssettag $0x2  }
0x14b: {  	s0 =	rddreg [dreg:$0x0];
	s2 =	stileid.u32  }
0x14c: {  	s1 =	rddreg [dreg:$0x1];
	p0 =	sne.s32 s2, $0x0  }
0x14d: {  	s3 =	rddreg [dreg:$0x2];
	[bflag:$0x3] =	sbarrier.arrive $0xFFFF;
	s2 =	simm.s32 @!p0 $0x1C07  }
0x14e: {  	[timem:s3], [sflag:s2] =	dma.local @!p0 [hbm:s0], s1  }
0x14f: {  	s0 =	simm.s32 @!p0 $0x7  }
0x150: {  	_ =	swait.ge @!p0 [sflag:s0], s1  }
0x151: {  	s1 =	ssub.s32 @!p0 $0x0, s1;
	[sflag:s0] =	ssyncset.done @!p0 $0x0  }
0x152: {  	[sflag:s0] =	ssyncadd.s32 @!p0 s1  }
0x153: {  	[bflag:$0x3] =	sbarrier.arrive $0xFFFF  }
0x154: {  	_ =	shalt  }

// kernel: kernel.7.cloned.1.call-start
scs
__scs_entry_jumppad:
0x0: {  	(pc) =	sbr.rel $0x88, $3  }
0x1: {  	(tag) =	ssettag $0x0;
	lr =	simm.s32 $0x1  }
0x2: {  	[smem:$0x3F9D] =	sst lr;
	_ =	strace $0xD0000000  }
0x3: {  	_ = 	snop  }
0x4: {  	_ = 	snop  }
0x5: {  	_ = 	snop  }
0x6: {  	_ = 	snop  }
0x7: {  	_ = 	snop  }
__scs_overlays_trampoline_lowered:
0x8: {  	[smem:$0x3FAC] =	sst s0  }
0x9: {  	[smem:$0x3FAD] =	sst s1  }
0xa: {  	[smem:$0x3FAE] =	sst s2  }
0xb: {  	[smem:$0x3FAF] =	sst s3  }
0xc: {  	[smem:$0x3FB0] =	sst s4  }
0xd: {  	[smem:$0x3FB1] =	sst s5  }
0xe: {  	[smem:$0x3FB2] =	sst s6  }
0xf: {  	[smem:$0x3FB3] =	sst s7  }
0x10: {  	[smem:$0x3FB4] =	sst s8  }
0x11: {  	[smem:$0x3FB5] =	sst s9;
	s0 =	simm.s32 @!p0 $0x0  }
0x12: {  	s1 =	sld [smem:$0x3F9B];
	s0 =	simm.s32 @p0 $0x1  }
0x13: {  	[smem:$0x3FB6] =	sst s0;
	s0 =	simm.s32 @!p1 $0x0  }
0x14: {  	s2 =	sld [smem:$0x3F9A];
	s0 =	simm.s32 @p1 $0x1  }
0x15: {  	[smem:$0x3FB7] =	sst s0;
	s0 =	simm.s32 @!p2 $0x0  }
0x16: {  	s3 =	sld [smem:$0x3FDB];
	s0 =	simm.s32 @p2 $0x1  }
0x17: {  	s4 =	simm.s32 $0x1BF5;
	[smem:$0x3FB9] =	sst s0  }
0x18: {  	s0 =	sld [smem:$0x3F9C];
	_ =	swait.ge [sflag:s4], $0x0  }
0x19: {  	s7 =	sld [smem:$0x3F9D]  }
0x1a: {  	s8 =	sadd.s32 $0xFFFFE003, lr  }
0x1b: {  	s9 =	sadd.s32 $0xFFFFFEF7, lr;
	s5 =	simm.s32 $0xFFFFFFFF;
	p2 =	slt.u32 s8, $0xFFFFF086  }
0x1c: {  	p1 =	slt.u32 s9, $0xF7A;
	s5 =	simm.s32 @!p2 $0x0  }
0x1d: {  	s5 =	simm.s32 @p1 $0x1;
	p0 =	seq.s32 s7, s2  }
0x1e: {  	s7 =	smul.u32 @!p0 $0xF7A, s2;
	p2 =	seq.s32 @!p0 s5, $0x0  }
0x1f: {  	s9 =	smul.u32 $0xF7A, s1;
	s8 =	simm.s32 @!p0 $0x1BF5;
	p2 =	por !p2, p0  }
0x20: {  	[sflag:s8] =	ssyncset.s32 @!p0 $0xFFFFF086;
	s6 =	sadd.s32 @!p0 s3, s7;
	s7 =	simm.s32 @!p0 $0x108  }
0x21: {  	s3 =	sadd.s32 s3, s9;
	s6 =	sadd.s32 @!p0 $0x88, s6;
	s7 =	simm.s32 @p2 $0x1082  }
0x22: {  	[simem:s7], [sflag:s8] =	dma.local @!p0 [hbm:s6], $0xF7A  }
0x23: {  	s9 =	sor.u32 $0xD0000000, s2;
	s6 =	simm.s32 $0x108;
	_ =	swait.ge @!p0 [sflag:s8], $0x0  }
0x24: {  	s3 =	sadd.s32 $0x88, s3;
	s6 =	simm.s32 @!p1 $0x1082;
	[sflag:s4] =	ssyncset.s32 $0xFFFFF086  }
0x25: {  	[simem:s6], [sflag:s4] =	dma.local [hbm:s3], $0xF7A  }
0x26: {  	[smem:$0x3F9D] =	sst s1;
	(tag) =	ssettag s2;
	_ =	strace s9  }
0x27: {  	s1 =	sld [smem:$0x3FAD]  }
0x28: {  	s2 =	sld [smem:$0x3FAE]  }
0x29: {  	s4 =	sld [smem:$0x3FB0]  }
0x2a: {  	p0 =	seq.s32 s5, $0x0;
	s5 =	sld [smem:$0x3FB1]  }
0x2b: {  	s6 =	sld [smem:$0x3FB2]  }
0x2c: {  	s7 =	sld [smem:$0x3FB3]  }
0x2d: {  	s3 =	simm.s32 $0x108;
	s8 =	sld [smem:$0x3FB4]  }
0x2e: {  	s3 =	simm.s32 @!p0 $0x1082;
	s9 =	sld [smem:$0x3FB5]  }
0x2f: {  	lr =	sadd.s32 s0, s3;
	s0 =	sld [smem:$0x3FAC]  }
0x30: {  	s3 =	sld [smem:$0x3FAF]  }
0x31: {  	[smem:$0x3FB8] =	sst s10  }
0x32: {  	s10 =	sld [smem:$0x3FB6];
	_ =	sdelay $0x3  }
0x33: {  	p0 =	seq.s32 s10, $0x1;
	s10 =	sld [smem:$0x3FB8];
	_ =	sdelay $0x3  }
0x34: {  	[smem:$0x3FB8] =	sst s10  }
0x35: {  	s10 =	sld [smem:$0x3FB7];
	_ =	sdelay $0x3  }
0x36: {  	p1 =	seq.s32 s10, $0x1;
	s10 =	sld [smem:$0x3FB8];
	_ =	sdelay $0x3  }
0x37: {  	[smem:$0x3FB8] =	sst s10  }
0x38: {  	s10 =	sld [smem:$0x3FB9]  }
0x39: {  	_ = 	snop;
	(pc) =	sbr.ind lr, $3  }
0x3a: {  	_ = 	snop  }
0x3b: {  	_ = 	snop  }
0x3c: {  	p2 =	seq.s32 s10, $0x1;
	s10 =	sld [smem:$0x3FB8]  }
0x3d: {  	_ =	shalt  }
0x3e: {  	_ =	shalt  }
0x3f: {  	_ =	shalt  }
0x40: {  	_ =	shalt  }
0x41: {  	_ =	shalt  }
0x42: {  	_ =	shalt  }
0x43: {  	_ =	shalt  }
0x44: {  	_ =	shalt  }
0x45: {  	_ =	shalt  }
0x46: {  	_ =	shalt  }
0x47: {  	_ =	shalt  }
0x48: {  	_ =	shalt  }
0x49: {  	_ =	shalt  }
0x4a: {  	_ =	shalt  }
0x4b: {  	_ =	shalt  }
0x4c: {  	_ =	shalt  }
0x4d: {  	_ =	shalt  }
0x4e: {  	_ =	shalt  }
0x4f: {  	_ =	shalt  }
0x50: {  	_ =	shalt  }
0x51: {  	_ =	shalt  }
0x52: {  	_ =	shalt  }
0x53: {  	_ =	shalt  }
0x54: {  	_ =	shalt  }
0x55: {  	_ =	shalt  }
0x56: {  	_ =	shalt  }
0x57: {  	_ =	shalt  }
0x58: {  	_ =	shalt  }
0x59: {  	_ =	shalt  }
0x5a: {  	_ =	shalt  }
0x5b: {  	_ =	shalt  }
0x5c: {  	_ =	shalt  }
0x5d: {  	_ =	shalt  }
0x5e: {  	_ =	shalt  }
0x5f: {  	_ =	shalt  }
0x60: {  	_ =	shalt  }
0x61: {  	_ =	shalt  }
0x62: {  	_ =	shalt  }
0x63: {  	_ =	shalt  }
0x64: {  	_ =	shalt  }
0x65: {  	_ =	shalt  }
0x66: {  	_ =	shalt  }
0x67: {  	_ =	shalt  }
0x68: {  	_ =	shalt  }
0x69: {  	_ =	shalt  }
0x6a: {  	_ =	shalt  }
0x6b: {  	_ =	shalt  }
0x6c: {  	_ =	shalt  }
0x6d: {  	_ =	shalt  }
0x6e: {  	_ =	shalt  }
0x6f: {  	_ =	shalt  }
0x70: {  	_ =	shalt  }
0x71: {  	_ =	shalt  }
0x72: {  	_ =	shalt  }
0x73: {  	_ =	shalt  }
0x74: {  	_ =	shalt  }
0x75: {  	_ =	shalt  }
0x76: {  	_ =	shalt  }
0x77: {  	_ =	shalt  }
0x78: {  	_ =	shalt  }
0x79: {  	_ =	shalt  }
0x7a: {  	_ =	shalt  }
0x7b: {  	_ =	shalt  }
0x7c: {  	_ =	shalt  }
0x7d: {  	_ =	shalt  }
0x7e: {  	_ =	shalt  }
0x7f: {  	_ =	shalt  }
0x80: {  	_ =	shalt  }
0x81: {  	_ =	shalt  }
0x82: {  	_ =	shalt  }
0x83: {  	_ =	shalt  }
0x84: {  	_ =	shalt  }
0x85: {  	_ =	shalt  }
0x86: {  	_ =	shalt  }
0x87: {  	_ =	shalt  }
.Lfunc_end0:
.L_simem_size_0:
called_computation_lowered:
.L_overlay_start_0:
0x88: {  	s2 =	sld [smem:$0x3FD9]  }
0x89: {  	s3 =	sld [smem:$0x3FFE];
	_ =	sdelay $0x1  }
0x8a: {  	s1 =	srdreg.scid  }
0x8b: {  	s0 =	sand.u32 $0x1, s1  }
0x8c: {  	s17 =	sshll.u32 s0, $0xA;
	s2 =	sadd.s32 s3, s2  }
0x8d: {  	s2 =	sadd.s32 s2, s17  }
0x8e: {  	[smem:$0x3FC4] =	sst s2  }
0x8f: {  	_ = 	snop  }
0x90: {  	s2 =	sld [smem:$0x3FD0];
	(tm) =	ssettm $0x1  }
0x91: {  	s18 =	sld [smem:$0x3FFB];
	_ =	sdelay $0x3  }
0x92: {  	_ =	strace s18  }
0x93: {  	s3 =	sld [smem:$0x3FFC];
	_ =	sdelay $0x3  }
0x94: {  	_ =	strace s3  }
0x95: {  	s3 =	sld [smem:$0x3FFD];
	_ =	sdelay $0x3  }
0x96: {  	_ =	strace s3  }
0x97: {  	_ =	strace $0x8FFFFFFF  }
0x98: {  	s19 =	sld [smem:$0x3FDB];
	_ =	sdelay $0x1  }
0x99: {  	s4 =	simm.s32 $_scs_section_size  }
0x9a: {  	s5 =	simm.s32 $_size__tile_overlayer_lowered;
	s6 =	simm.s32 $_tile_overlayer_lowered  }
0x9b: {  	s22 =	simm.s32 $0x1BFF;
	s21 =	sshll.u32 s6, $0x1;
	s3 =	sadd.s32 s4, s19  }
0x9c: {  	s7 =	simm.s32 $0x0;
	s20 =	sshll.u32 s5, $0x1;
	s5 =	sadd.s32 s21, s3  }
0x9d: {  	[timem:s7], [sflag:s22] =	dma.local [hbm:s5], s20  }
0x9e: {  	_ =	swait.ge [sflag:s22], s20  }
0x9f: {  	s4 =	ssub.s32 $0x0, s20;
	[sflag:s22] =	ssyncset.done $0x0  }
0xa0: {  	[sflag:s22] =	ssyncadd.s32 s4;
	_ =	sdelay $0x1  }
0xa1: {  	s23 =	simm.s32 $0x1B8B  }
0xa2: {  	_ =	swait.ge [sflag:s23], $0x1  }
0xa3: {  	[sflag:s23] =	ssyncset.done $0x0  }
0xa4: {  	s25 =	simm.s32 $0x1B8E;
	s24 =	sld [smem:$0x3FFE];
	[sflag:s23] =	ssyncadd.s32 $0xFFFFFFFF  }
0xa5: {  	s26 =	simm.s32 $execute0_lowered;
	[smem:$0x3FD2] =	sst s25  }
0xa6: {  	s5 =	sshll.u32 s26, $0x1;
	_ =	strace $0x80000046;
	[dreg:$0x1] =	wrdreg $0xFFFFFFFF  }
0xa7: {  	s28 =	simm.s32 $_size_execute0_lowered;
	s3 =	sadd.s32 s3, s5;
	[dreg:$0x0] =	wrdreg $0x0  }
0xa8: {  	s5 =	sshll.u32 s28, $0x1;
	[dreg:$0x2] =	wrdreg s3  }
0xa9: {  	[dreg:$0x3] =	wrdreg s5  }
0xaa: {  	[dreg:$0x4] =	wrdreg $0xC0  }
0xab: {  	_ =	task [dreg:s7], $0x5FFFF  }
0xac: {  	[dreg:$0x1] =	wrdreg $0xFFFFFFFF  }
0xad: {  	[dreg:$0x0] =	wrdreg $0x60  }
0xae: {  	[dreg:$0x2] =	wrdreg s24  }
0xaf: {  	[dreg:$0x3] =	wrdreg s2  }
0xb0: {  	[dreg:$0x4] =	wrdreg $0x62000  }
0xb1: {  	[dreg:$0x5] =	wrdreg $0x9  }
0xb2: {  	_ =	task.clear_ibuf [dreg:s7], $0x6FFFF;
	_ =	strace $0x90000046  }
0xb3: {  	s29 =	simm.s32 $0x9;
	_ =	strace $0x80000048  }
0xb4: {  	_ =	swait.ge [sflag:s29], $0x1  }
0xb5: {  	[sflag:s29] =	ssyncadd.s32 $0xFFFFFFFF  }
0xb6: {  	_ =	strace $0x90000048  }
0xb7: {  	_ =	sfence  }
0xb8: {  	s30 =	sld [smem:$0x0];
	_ =	sdelay $0x2  }
0xb9: {  	s31 =	sshll.u32 s1, $0xD;
	s1 =	sshrl.u32 s1, $0x2  }
0xba: {  	s3 =	sand.u32 $0x4000, s31;
	s1 =	sadd.s32 s1, s30  }
0xbb: {  	s0 =	sor.u32 s3, s0;
	s1 =	sshll.u32 s1, $0x11  }
0xbc: {  	s0 =	sor.u32 s1, s0  }
0xbd: {  	s0 =	sadd.s32 $0x8F2B, s0  }
0xbe: {  	[sflag:s0] =	ssyncadd.remote.s32 $0x1  }
0xbf: {  	_ =	sfence.sel $0xFFFF  }
0xc0: {  	[dreg:$0x0] =	wrdreg $0xFFFFFFFF;
	(pc) =	sbr.abs _section_cstart, $3  }
0xc1: {  	[dreg:$0x1] =	wrdreg $0xFFFFFFFF  }
0xc2: {  	_ =	task.clear_ibuf [dreg:s7], $0x2FFFF;
	_ =	strace $0x9FFFFFFF  }
0xc3: {  	(tm) =	ssettm $0x7FFFFFFF  }
tec
execute0_lowered:
.L_overlay_start_1:
0x0: {  	(tag) =	ssettag $0x1  }
0x1: {  	s0 =	rddreg [dreg:$0x0]  }
0x2: {  	s2 =	rddreg [dreg:$0x1]  }
0x3: {  	s1 =	rddreg [dreg:$0x2]  }
0x4: {  	s3 =	srdreg.scid;
	s11 =	stileid.u32;
	s28 =	simm.s32 $0x6  }
0x5: {  	s29 =	simm.s32 $0x2A00;
	s30 =	simm.s32 $0x3;
	s7 =	smul.u32 $0x14000, s11  }
0x6: {  	s31 =	simm.s32 $0x2;
	s6 =	sand.u32 $0x1, s3;
	s23 =	smul.u32 $0x50000, s11  }
0x7: {  	s3 =	simm.s32 $0x0;
	s4 =	sadd.s32 $0xAC00, s0;
	s5 =	smul.u32 $0x140000, s6  }
0x8: {  	s10 =	sadd.s32 $0xE00, s0;
	[smem:$0x7FF] =	sst s3;
	s9 =	ssub.s32 $0x2, s6  }
0x9: {  	s8 =	sshll.u32 s6, $0x4;
	s24 =	sshrl.u32 s9, $0x1;
	s5 =	sadd.s32 s7, s5  }
0xa: {  	_ =	strace $0x80000047;
	s9 =	ssub.s32 s9, s24;
	s5 =	sshrl.u32 s5, $0x3  }
0xb: {  	s25 =	sshrl.u32 s23, $0x2;
	s9 =	smax.u32 s9, $0x1;
	s0 =	sadd.s32 s5, s0  }
0xc: {  	s5 =	sadd.s32 s25, s1;
	[dreg:$0x6] =	wrdreg s9;
	s0 =	sadd.s32 $0x31E00, s0  }
0xd: {  	s18 =	smul.u32 $0x27100, s6;
	s14 =	sadd.s32 $0x2000, s5;
	[dreg:$0x5] =	wrdreg s0  }
0xe: {  	s22 =	sor.u32 s11, s8;
	s16 =	sadd.s32 $0x3000, s5;
	[dreg:$0x8] =	wrdreg s14  }
0xf: {  	s7 =	smul.u32 $0x2710, s22;
	s17 =	sadd.s32 $0x4000, s5;
	[dreg:$0x9] =	wrdreg s16  }
0x10: {  	s22 =	smul.u32 $0x2710, s11;
	s20 =	sadd.s32 $0x5000, s5;
	[dreg:$0xa] =	wrdreg s17  }
0x11: {  	s7 =	sshrl.u32 s7, $0x3;
	s9 =	sadd.s32 $0xA000, s5;
	[dreg:$0xb] =	wrdreg s20  }
0x12: {  	s26 =	sadd.s32 $0xA, s7;
	s11 =	sadd.s32 $0xC000, s5;
	[dreg:$0x14] =	wrdreg s9  }
0x13: {  	s12 =	sadd.s32 s10, s7;
	s13 =	sadd.s32 s10, s26;
	[dreg:$0x16] =	wrdreg s11  }
0x14: {  	s21 =	sadd.s32 $0x14, s7;
	s8 =	sadd.s32 s2, s26;
	[dreg:$0x4] =	wrdreg s13  }
0x15: {  	s15 =	sadd.s32 s2, s7;
	s23 =	sadd.s32 s10, s21;
	[dreg:$0xc] =	wrdreg s8  }
0x16: {  	s7 =	sadd.s32 $0x4D8, s7;
	s6 =	sadd.s32 s2, s21;
	[dreg:$0xd] =	wrdreg s23  }
0x17: {  	s19 =	sadd.s32 s10, s7;
	s24 =	sadd.s32 s2, s7;
	[dreg:$0xe] =	wrdreg s6  }
0x18: {  	s0 =	sadd.s32 s22, s18;
	s14 =	sadd.s32 $0xE000, s5;
	[dreg:$0xf] =	wrdreg s24  }
0x19: {  	s16 =	sadd.s32 $0xF000, s5;
	s17 =	sadd.s32 $0x10000, s5;
	[dreg:$0x18] =	wrdreg s14  }
0x1a: {  	s18 =	sadd.s32 $0x11000, s5;
	s20 =	sadd.s32 $0x12000, s5;
	[dreg:$0x19] =	wrdreg s16  }
0x1b: {  	s13 =	sadd.s32 $0x1000, s5;
	s25 =	sadd.s32 $0x190, s0;
	[dreg:$0x1a] =	wrdreg s17  }
0x1c: {  	s26 =	sadd.s32 $0x140, s0;
	s0 =	sadd.s32 $0xF0, s0;
	[dreg:$0x1b] =	wrdreg s18  }
0x1d: {  	s8 =	sadd.s32 $0x9000, s5;
	[dreg:$0x1c] =	wrdreg s20;
	s14 =	smov.u32 s15  }
0x1e: {  	s15 =	sadd.s32 $0x4CE, s15;
	s16 =	simm.s32 $0x80;
	s17 =	simm.s32 $0x100  }
0x1f: {  	s18 =	simm.s32 $0x50;
	s20 =	simm.s32 $0x200;
	[dreg:$0x7] =	wrdreg s13  }
0x20: {  	s6 =	sshrl.u32 s25, $0x3;
	s7 =	sshrl.u32 s26, $0x3;
	s0 =	sshrl.u32 s0, $0x3  }
0x21: {  	[dreg:$0x13] =	wrdreg s8;
	s13 =	sadd.s32 $0xD000, s5;
	s25 =	sadd.s32 $0x13000, s5  }
0x22: {  	s26 =	sadd.s32 $0x1E, s12;
	s8 =	simm.s32 $0x0;
	[dreg:$0x17] =	wrdreg s13  }
0x23: {  	s21 =	sadd.s32 s6, s10;
	s23 =	sadd.s32 s7, s2;
	[dreg:$0x1d] =	wrdreg s25  }
0x24: {  	s24 =	sadd.s32 s0, s2;
	s2 =	sadd.s32 $0x6000, s5;
	[dreg:$0x1e] =	wrdreg s26  }
0x25: {  	s22 =	sadd.s32 s7, s10;
	s6 =	sadd.s32 $0x7000, s5;
	[dreg:$0x10] =	wrdreg s2  }
0x26: {  	s7 =	sadd.s32 $0x8000, s5;
	s10 =	sadd.s32 $0xB000, s5;
	[dreg:$0x11] =	wrdreg s6  }
0x27: {  	s13 =	smov.u32 s12;
	s25 =	simm.s32 $0x180;
	[dreg:$0x12] =	wrdreg s7  }
0x28: {  	s26 =	simm.s32 $0x1;
	s0 =	simm.s32 $0x4;
	[dreg:$0x15] =	wrdreg s10  }
0x29: {  	v0 =	vimm.f32 $0.0e+00;
	s6 =	simm.s32 $0x5200;
	s7 =	simm.s32 $0x5;
	s2 =	simm.s32 $0x7  }
.LBB2_1:
0x2a: {  	s9 =	sand.u32 $0x3E00, s3  }
0x2b: {  	s10 =	sand.u32 $0x70, s3;
	s11 =	sshrl.u32 s9, $0x2  }
0x2c: {  	s9 =	simm.s32 $0x40;
	s11 =	sor.u32 s10, s11;
	s10 =	simm.s32 $0x0  }
.LBB2_2:
0x2d: {  	p0 =	sne.s32 s9, $0x3FC0  }
0x2e: {  	[tilespmem:s11+$0x5200] =	vst v0;
	s10 =	sadd.s32 $0x10, s10;
	s11 =	smov.u32 s9;
	s9 =	sadd.s32 $0x40, s9  }
.Ltmp0:
0x2f: {  	(pc) =	sbr.rel @p0 .LBB2_2-.Ltmp0, $4  }
0x30: {  	_ = 	snop  }
0x31: {  	s11 =	sand.u32 $0x3E00, s11  }
0x32: {  	s12 =	sand.u32 $0x70, s10;
	s11 =	sshrl.u32 s11, $0x2  }
0x33: {  	s11 =	sor.u32 s12, s11  }
0x34: {  	[tilespmem:s11+$0x5200] =	vst v0  }
0x35: {  	[spmem:s5] =	stream.linear.scatter [tilespmem:s6], [sflag:$0x5], $0x1000, $0x38;
	[tilespmem:$0x1A200] =	vst v63  }
0x36: {  	s9 =	rddreg [dreg:$0x7]  }
0x37: {  	[spmem:s9] =	stream.linear.scatter [tilespmem:s6], [sflag:$0x5], $0x1000, $0x38;
	[tilespmem:$0x1A200] =	vst v63  }
0x38: {  	s12 =	rddreg [dreg:$0x8]  }
0x39: {  	[spmem:s12] =	stream.linear.scatter [tilespmem:s6], [sflag:$0x5], $0x1000, $0x38;
	[tilespmem:$0x1A200] =	vst v63  }
0x3a: {  	s10 =	rddreg [dreg:$0x9]  }
0x3b: {  	[spmem:s10] =	stream.linear.scatter [tilespmem:s6], [sflag:$0x5], $0x1000, $0x38;
	[tilespmem:$0x1A200] =	vst v63  }
0x3c: {  	s11 =	rddreg [dreg:$0xa]  }
0x3d: {  	[spmem:s11] =	stream.linear.scatter [tilespmem:s6], [sflag:$0x5], $0x1000, $0x38;
	[tilespmem:$0x1A200] =	vst v63  }
0x3e: {  	s12 =	rddreg [dreg:$0xb]  }
0x3f: {  	[spmem:s12] =	stream.linear.scatter [tilespmem:s6], [sflag:$0x5], $0x1000, $0x38;
	[tilespmem:$0x1A200] =	vst v63  }
0x40: {  	s10 =	rddreg [dreg:$0x10]  }
0x41: {  	[spmem:s10] =	stream.linear.scatter [tilespmem:s6], [sflag:$0x5], $0x1000, $0x38;
	[tilespmem:$0x1A200] =	vst v63  }
0x42: {  	s11 =	rddreg [dreg:$0x11]  }
0x43: {  	[spmem:s11] =	stream.linear.scatter [tilespmem:s6], [sflag:$0x5], $0x1000, $0x38;
	[tilespmem:$0x1A200] =	vst v63  }
0x44: {  	s12 =	rddreg [dreg:$0x12]  }
0x45: {  	[spmem:s12] =	stream.linear.scatter [tilespmem:s6], [sflag:$0x5], $0x1000, $0x38;
	[tilespmem:$0x1A200] =	vst v63  }
0x46: {  	s10 =	rddreg [dreg:$0x13]  }
0x47: {  	[spmem:s10] =	stream.linear.scatter [tilespmem:s6], [sflag:$0x5], $0x1000, $0x38;
	[tilespmem:$0x1A200] =	vst v63  }
0x48: {  	s11 =	rddreg [dreg:$0x14]  }
0x49: {  	[spmem:s11] =	stream.linear.scatter [tilespmem:s6], [sflag:$0x5], $0x1000, $0x38;
	[tilespmem:$0x1A200] =	vst v63  }
0x4a: {  	s12 =	rddreg [dreg:$0x15]  }
0x4b: {  	[spmem:s12] =	stream.linear.scatter [tilespmem:s6], [sflag:$0x5], $0x1000, $0x38;
	[tilespmem:$0x1A200] =	vst v63  }
0x4c: {  	s10 =	rddreg [dreg:$0x16]  }
0x4d: {  	[spmem:s10] =	stream.linear.scatter [tilespmem:s6], [sflag:$0x5], $0x1000, $0x38;
	[tilespmem:$0x1A200] =	vst v63  }
0x4e: {  	s11 =	rddreg [dreg:$0x17]  }
0x4f: {  	[spmem:s11] =	stream.linear.scatter [tilespmem:s6], [sflag:$0x5], $0x1000, $0x38;
	[tilespmem:$0x1A200] =	vst v63  }
0x50: {  	s12 =	rddreg [dreg:$0x18]  }
0x51: {  	[spmem:s12] =	stream.linear.scatter [tilespmem:s6], [sflag:$0x5], $0x1000, $0x38;
	[tilespmem:$0x1A200] =	vst v63  }
0x52: {  	s10 =	rddreg [dreg:$0x19]  }
0x53: {  	[spmem:s10] =	stream.linear.scatter [tilespmem:s6], [sflag:$0x5], $0x1000, $0x38;
	[tilespmem:$0x1A200] =	vst v63  }
0x54: {  	s11 =	rddreg [dreg:$0x1a]  }
0x55: {  	[spmem:s11] =	stream.linear.scatter [tilespmem:s6], [sflag:$0x5], $0x1000, $0x38;
	[tilespmem:$0x1A200] =	vst v63  }
0x56: {  	s12 =	rddreg [dreg:$0x1b]  }
0x57: {  	[spmem:s12] =	stream.linear.scatter [tilespmem:s6], [sflag:$0x5], $0x1000, $0x38;
	[tilespmem:$0x1A200] =	vst v63  }
0x58: {  	s10 =	rddreg [dreg:$0x1c]  }
0x59: {  	[spmem:s10] =	stream.linear.scatter [tilespmem:s6], [sflag:$0x5], $0x1000, $0x38;
	[tilespmem:$0x1A200] =	vst v63  }
0x5a: {  	s11 =	rddreg [dreg:$0x1d]  }
0x5b: {  	[spmem:s11] =	stream.linear.scatter [tilespmem:s6], [sflag:$0x5], $0x1000, $0x38;
	[tilespmem:$0x1A200] =	vst v63  }
0x5c: {  	_ =	swait.ge [sflag:s7], $0x1000  }
0x5d: {  	[sflag:s7] =	ssyncset.done $0x0  }
0x5e: {  	[sflag:s7] =	ssyncadd.s32 $0xFFFFF000  }
0x5f: {  	_ =	swait.ge [sflag:s7], $0x1000  }
0x60: {  	[sflag:s7] =	ssyncset.done $0x0  }
0x61: {  	[sflag:s7] =	ssyncadd.s32 $0xFFFFF000  }
0x62: {  	_ =	swait.ge [sflag:s7], $0x1000  }
0x63: {  	[sflag:s7] =	ssyncset.done $0x0  }
0x64: {  	[sflag:s7] =	ssyncadd.s32 $0xFFFFF000  }
0x65: {  	_ =	swait.ge [sflag:s7], $0x1000  }
0x66: {  	[sflag:s7] =	ssyncset.done $0x0  }
0x67: {  	[sflag:s7] =	ssyncadd.s32 $0xFFFFF000  }
0x68: {  	_ =	swait.ge [sflag:s7], $0x1000  }
0x69: {  	[sflag:s7] =	ssyncset.done $0x0  }
0x6a: {  	[sflag:s7] =	ssyncadd.s32 $0xFFFFF000  }
0x6b: {  	_ =	swait.ge [sflag:s7], $0x1000  }
0x6c: {  	[sflag:s7] =	ssyncset.done $0x0  }
0x6d: {  	[sflag:s7] =	ssyncadd.s32 $0xFFFFF000  }
0x6e: {  	_ =	swait.ge [sflag:s7], $0x1000  }
0x6f: {  	[sflag:s7] =	ssyncset.done $0x0  }
0x70: {  	[sflag:s7] =	ssyncadd.s32 $0xFFFFF000  }
0x71: {  	_ =	swait.ge [sflag:s7], $0x1000  }
0x72: {  	[sflag:s7] =	ssyncset.done $0x0  }
0x73: {  	[sflag:s7] =	ssyncadd.s32 $0xFFFFF000  }
0x74: {  	_ =	swait.ge [sflag:s7], $0x1000  }
0x75: {  	[sflag:s7] =	ssyncset.done $0x0  }
0x76: {  	[sflag:s7] =	ssyncadd.s32 $0xFFFFF000  }
0x77: {  	_ =	swait.ge [sflag:s7], $0x1000  }
0x78: {  	[sflag:s7] =	ssyncset.done $0x0  }
0x79: {  	[sflag:s7] =	ssyncadd.s32 $0xFFFFF000  }
0x7a: {  	_ =	swait.ge [sflag:s7], $0x1000  }
0x7b: {  	[sflag:s7] =	ssyncset.done $0x0  }
0x7c: {  	[sflag:s7] =	ssyncadd.s32 $0xFFFFF000  }
0x7d: {  	_ =	swait.ge [sflag:s7], $0x1000  }
0x7e: {  	[sflag:s7] =	ssyncset.done $0x0  }
0x7f: {  	[sflag:s7] =	ssyncadd.s32 $0xFFFFF000  }
0x80: {  	_ =	swait.ge [sflag:s7], $0x1000  }
0x81: {  	[sflag:s7] =	ssyncset.done $0x0  }
0x82: {  	[sflag:s7] =	ssyncadd.s32 $0xFFFFF000  }
0x83: {  	_ =	swait.ge [sflag:s7], $0x1000  }
0x84: {  	[sflag:s7] =	ssyncset.done $0x0  }
0x85: {  	[sflag:s7] =	ssyncadd.s32 $0xFFFFF000  }
0x86: {  	_ =	swait.ge [sflag:s7], $0x1000  }
0x87: {  	[sflag:s7] =	ssyncset.done $0x0  }
0x88: {  	[sflag:s7] =	ssyncadd.s32 $0xFFFFF000  }
0x89: {  	_ =	swait.ge [sflag:s7], $0x1000  }
0x8a: {  	[sflag:s7] =	ssyncset.done $0x0  }
0x8b: {  	[sflag:s7] =	ssyncadd.s32 $0xFFFFF000  }
0x8c: {  	_ =	swait.ge [sflag:s7], $0x1000  }
0x8d: {  	[sflag:s7] =	ssyncset.done $0x0  }
0x8e: {  	[sflag:s7] =	ssyncadd.s32 $0xFFFFF000  }
0x8f: {  	_ =	swait.ge [sflag:s7], $0x1000  }
0x90: {  	[sflag:s7] =	ssyncset.done $0x0  }
0x91: {  	[sflag:s7] =	ssyncadd.s32 $0xFFFFF000  }
0x92: {  	_ =	swait.ge [sflag:s7], $0x1000  }
0x93: {  	[sflag:s7] =	ssyncset.done $0x0  }
0x94: {  	[sflag:s7] =	ssyncadd.s32 $0xFFFFF000  }
0x95: {  	_ =	swait.ge [sflag:s7], $0x1000  }
0x96: {  	[sflag:s7] =	ssyncset.done $0x0  }
0x97: {  	[sflag:s7] =	ssyncadd.s32 $0xFFFFF000  }
0x98: {  	s9 =	simm.s32 $0x0;
	[bflag:$0x0] =	sbarrier.arrive $0xFFFF  }
0x99: {  	[tilespmem:s9], [sflag:$0x5] =	stream.linear.gather [hbm4b:s13+s9], $0x50, $0x38;
	[tilespmem:$0x1A200] =	vst v63  }
0x9a: {  	_ = 	snop  }
0x9b: {  	[tilespmem:s16], [sflag:$0x5] =	stream.linear.gather [hbm4b:s14+s9], $0x50, $0x38;
	[tilespmem:$0x1A200] =	vst v63  }
0x9c: {  	s10 =	rddreg [dreg:$0x4]  }
0x9d: {  	[tilespmem:s17], [sflag:$0x6] =	stream.linear.gather [hbm4b:s10+s9], $0x50, $0x38;
	[tilespmem:$0x1A200] =	vst v63  }
0x9e: {  	_ =	swait.ge [sflag:s7], $0x50  }
0x9f: {  	[sflag:s7] =	ssyncset.done $0x0  }
0xa0: {  	[sflag:s7] =	ssyncadd.s32 $0xFFFFFFB0  }
0xa1: {  	_ =	swait.ge [sflag:s7], $0x50  }
0xa2: {  	[sflag:s7] =	ssyncset.done $0x0  }
0xa3: {  	[sflag:s7] =	ssyncadd.s32 $0xFFFFFFB0  }
0xa4: {  	[tilespmem:s20], [sflag:$0x1] =	stream.indirect.gather [hbm4b:s4+s18], $0x80, s9, s18, $0xb8;
	[tilespmem:$0x1A200] =	vst v63  }
0xa5: {  	s12 =	rddreg [dreg:$0xc]  }
0xa6: {  	[tilespmem:s25], [sflag:$0x6] =	stream.linear.gather [hbm4b:s12+s9], $0x50, $0x38;
	[tilespmem:$0x1A200] =	vst v63  }
0xa7: {  	_ =	swait.ge [sflag:s26], $0x2800  }
0xa8: {  	[sflag:s26] =	ssyncset.done $0x0  }
0xa9: {  	s11 =	rddreg [dreg:$0xd];
	[sflag:s26] =	ssyncadd.s32 $0xFFFFD800  }
0xaa: {  	[tilespmem:s9], [sflag:$0x5] =	stream.linear.gather [hbm4b:s11+s9], $0x50, $0x38;
	[tilespmem:$0x1A200] =	vst v63  }
0xab: {  	_ = 	snop  }
0xac: {  	[spmem:s1] =	stream.indirect.scatter.add.f32 [tilespmem:s20], [sflag:$0x3], $0x80, s16, s18, $0xb8;
	[tilespmem:$0x1A200] =	vst v63  }
0xad: {  	_ =	swait.ge [sflag:s28], $0x50  }
0xae: {  	[sflag:s28] =	ssyncset.done $0x0  }
0xaf: {  	[sflag:s28] =	ssyncadd.s32 $0xFFFFFFB0  }
0xb0: {  	_ =	swait.ge [sflag:s28], $0x50  }
0xb1: {  	[sflag:s28] =	ssyncset.done $0x0  }
0xb2: {  	[sflag:s28] =	ssyncadd.s32 $0xFFFFFFB0  }
0xb3: {  	[tilespmem:s29], [sflag:$0x2] =	stream.indirect.gather [hbm4b:s4+s18], $0x80, s17, s18, $0xb8;
	[tilespmem:$0x1A200] =	vst v63  }
0xb4: {  	_ =	swait.ge [sflag:s30], $0x2800  }
0xb5: {  	[sflag:s30] =	ssyncset.done $0x0  }
0xb6: {  	s12 =	rddreg [dreg:$0xe];
	[sflag:s30] =	ssyncadd.s32 $0xFFFFD800  }
0xb7: {  	[tilespmem:s16], [sflag:$0x5] =	stream.linear.gather [hbm4b:s12+s9], $0x50, $0x38;
	[tilespmem:$0x1A200] =	vst v63  }
0xb8: {  	_ =	swait.ge [sflag:s31], $0x2800  }
0xb9: {  	[sflag:s31] =	ssyncset.done $0x0  }
0xba: {  	s11 =	rddreg [dreg:$0x1e];
	[sflag:s31] =	ssyncadd.s32 $0xFFFFD800  }
0xbb: {  	[tilespmem:s17], [sflag:$0x6] =	stream.linear.gather [hbm4b:s11+s9], $0x50, $0x38;
	[tilespmem:$0x1A200] =	vst v63  }
0xbc: {  	_ = 	snop  }
0xbd: {  	[spmem:s1] =	stream.indirect.scatter.add.f32 [tilespmem:s29], [sflag:$0x4], $0x80, s25, s18, $0xb8;
	[tilespmem:$0x1A200] =	vst v63  }
0xbe: {  	_ =	swait.ge [sflag:s7], $0x50  }
0xbf: {  	[sflag:s7] =	ssyncset.done $0x0  }
0xc0: {  	[sflag:s7] =	ssyncadd.s32 $0xFFFFFFB0  }
0xc1: {  	_ =	swait.ge [sflag:s7], $0x50  }
0xc2: {  	[sflag:s7] =	ssyncset.done $0x0  }
0xc3: {  	[sflag:s7] =	ssyncadd.s32 $0xFFFFFFB0  }
0xc4: {  	[tilespmem:s20], [sflag:$0x1] =	stream.indirect.gather [hbm4b:s4+s18], $0x80, s9, s18, $0xb8;
	[tilespmem:$0x1A200] =	vst v63  }
0xc5: {  	_ =	swait.ge [sflag:s0], $0x2800  }
0xc6: {  	[sflag:s0] =	ssyncset.done $0x0  }
0xc7: {  	s12 =	sadd.s32 $0x0, s24;
	[sflag:s0] =	ssyncadd.s32 $0xFFFFD800  }
0xc8: {  	[tilespmem:s25], [sflag:$0x6] =	stream.linear.gather [hbm4b:s12+s3], $0x50, $0x38;
	[tilespmem:$0x1A200] =	vst v63  }
0xc9: {  	_ =	swait.ge [sflag:s26], $0x2800  }
0xca: {  	[sflag:s26] =	ssyncset.done $0x0  }
0xcb: {  	s10 =	sadd.s32 $0x0, s22;
	[sflag:s26] =	ssyncadd.s32 $0xFFFFD800  }
0xcc: {  	[tilespmem:s3], [sflag:$0x5] =	stream.linear.gather [hbm4b:s10+s3], $0x50, $0x38;
	[tilespmem:$0x1A200] =	vst v63  }
0xcd: {  	_ = 	snop  }
0xce: {  	[spmem:s1] =	stream.indirect.scatter.add.f32 [tilespmem:s20], [sflag:$0x3], $0x80, s16, s18, $0xb8;
	[tilespmem:$0x1A200] =	vst v63  }
0xcf: {  	_ =	swait.ge [sflag:s28], $0x50  }
0xd0: {  	[sflag:s28] =	ssyncset.done $0x0  }
0xd1: {  	[sflag:s28] =	ssyncadd.s32 $0xFFFFFFB0  }
0xd2: {  	_ =	swait.ge [sflag:s28], $0x50  }
0xd3: {  	[sflag:s28] =	ssyncset.done $0x0  }
0xd4: {  	[sflag:s28] =	ssyncadd.s32 $0xFFFFFFB0  }
0xd5: {  	[tilespmem:s29], [sflag:$0x2] =	stream.indirect.gather [hbm4b:s4+s18], $0x80, s17, s18, $0xb8;
	[tilespmem:$0x1A200] =	vst v63  }
0xd6: {  	_ =	swait.ge [sflag:s30], $0x2800  }
0xd7: {  	[sflag:s30] =	ssyncset.done $0x0  }
0xd8: {  	s11 =	sadd.s32 $0x0, s23;
	[sflag:s30] =	ssyncadd.s32 $0xFFFFD800  }
0xd9: {  	[tilespmem:s16], [sflag:$0x5] =	stream.linear.gather [hbm4b:s11+s3], $0x50, $0x38;
	[tilespmem:$0x1A200] =	vst v63  }
0xda: {  	_ =	swait.ge [sflag:s31], $0x2800  }
0xdb: {  	[sflag:s31] =	ssyncset.done $0x0  }
0xdc: {  	s12 =	sadd.s32 $0x0, s21;
	[sflag:s31] =	ssyncadd.s32 $0xFFFFD800  }
0xdd: {  	[tilespmem:s17], [sflag:$0x6] =	stream.linear.gather [hbm4b:s12+s3], $0x50, $0x38;
	[tilespmem:$0x1A200] =	vst v63  }
0xde: {  	_ = 	snop  }
0xdf: {  	[spmem:s1] =	stream.indirect.scatter.add.f32 [tilespmem:s29], [sflag:$0x4], $0x80, s25, s18, $0xb8;
	[tilespmem:$0x1A200] =	vst v63  }
0xe0: {  	_ =	swait.ge [sflag:s7], $0x50  }
0xe1: {  	[sflag:s7] =	ssyncset.done $0x0  }
0xe2: {  	[sflag:s7] =	ssyncadd.s32 $0xFFFFFFB0  }
0xe3: {  	_ =	swait.ge [sflag:s7], $0x50  }
0xe4: {  	[sflag:s7] =	ssyncset.done $0x0  }
0xe5: {  	s9 =	simm.s32 $0x14;
	[sflag:s7] =	ssyncadd.s32 $0xFFFFFFB0  }
.LBB2_4:
0xe6: {  	[tilespmem:s20], [sflag:$0x1] =	stream.indirect.gather [hbm4b:s4+s18], $0x80, s3, s18, $0xb8;
	[tilespmem:$0x1A200] =	vst v63  }
0xe7: {  	s10 =	smov.u32 s9  }
0xe8: {  	p0 =	sne.s32 s9, $0x49C;
	s9 =	sadd.s32 $0x14, s9;
	_ =	swait.ge [sflag:s0], $0x2800  }
0xe9: {  	[sflag:s0] =	ssyncset.done $0x0  }
0xea: {  	s11 =	sadd.s32 s10, s24;
	[sflag:s0] =	ssyncadd.s32 $0xFFFFD800  }
0xeb: {  	[tilespmem:s25], [sflag:$0x6] =	stream.linear.gather [hbm4b:s11+s3], $0x50, $0x38;
	[tilespmem:$0x1A200] =	vst v63  }
0xec: {  	_ =	swait.ge [sflag:s26], $0x2800  }
0xed: {  	[sflag:s26] =	ssyncset.done $0x0  }
0xee: {  	s11 =	sadd.s32 s10, s22;
	[sflag:s26] =	ssyncadd.s32 $0xFFFFD800  }
0xef: {  	[tilespmem:s3], [sflag:$0x5] =	stream.linear.gather [hbm4b:s11+s3], $0x50, $0x38;
	[tilespmem:$0x1A200] =	vst v63  }
0xf0: {  	_ = 	snop  }
0xf1: {  	[spmem:s1] =	stream.indirect.scatter.add.f32 [tilespmem:s20], [sflag:$0x3], $0x80, s16, s18, $0xb8;
	[tilespmem:$0x1A200] =	vst v63  }
0xf2: {  	_ =	swait.ge [sflag:s28], $0x50  }
0xf3: {  	[sflag:s28] =	ssyncset.done $0x0  }
0xf4: {  	[sflag:s28] =	ssyncadd.s32 $0xFFFFFFB0  }
0xf5: {  	_ =	swait.ge [sflag:s28], $0x50  }
0xf6: {  	[sflag:s28] =	ssyncset.done $0x0  }
0xf7: {  	[sflag:s28] =	ssyncadd.s32 $0xFFFFFFB0  }
0xf8: {  	[tilespmem:s29], [sflag:$0x2] =	stream.indirect.gather [hbm4b:s4+s18], $0x80, s17, s18, $0xb8;
	[tilespmem:$0x1A200] =	vst v63  }
0xf9: {  	_ =	swait.ge [sflag:s30], $0x2800  }
0xfa: {  	[sflag:s30] =	ssyncset.done $0x0  }
0xfb: {  	s11 =	sadd.s32 s10, s23;
	[sflag:s30] =	ssyncadd.s32 $0xFFFFD800  }
0xfc: {  	[tilespmem:s16], [sflag:$0x5] =	stream.linear.gather [hbm4b:s11+s3], $0x50, $0x38;
	[tilespmem:$0x1A200] =	vst v63  }
0xfd: {  	_ =	swait.ge [sflag:s31], $0x2800  }
0xfe: {  	[sflag:s31] =	ssyncset.done $0x0  }
0xff: {  	s10 =	sadd.s32 s10, s21;
	[sflag:s31] =	ssyncadd.s32 $0xFFFFD800  }
0x100: {  	[tilespmem:s17], [sflag:$0x6] =	stream.linear.gather [hbm4b:s10+s3], $0x50, $0x38;
	[tilespmem:$0x1A200] =	vst v63  }
0x101: {  	_ = 	snop  }
0x102: {  	[spmem:s1] =	stream.indirect.scatter.add.f32 [tilespmem:s29], [sflag:$0x4], $0x80, s25, s18, $0xb8;
	[tilespmem:$0x1A200] =	vst v63  }
0x103: {  	_ =	swait.ge [sflag:s7], $0x50  }
.Ltmp1:
0x104: {  	[sflag:s7] =	ssyncset.done $0x0;
	(pc) =	sbr.rel @p0 .LBB2_4-.Ltmp1, $4  }
0x105: {  	[sflag:s7] =	ssyncadd.s32 $0xFFFFFFB0  }
0x106: {  	_ =	swait.ge [sflag:s7], $0x50  }
0x107: {  	[sflag:s7] =	ssyncset.done $0x0  }
0x108: {  	[sflag:s7] =	ssyncadd.s32 $0xFFFFFFB0  }
0x109: {  	[tilespmem:s20], [sflag:$0x1] =	stream.indirect.gather [hbm4b:s4+s18], $0x80, s3, s18, $0xb8;
	[tilespmem:$0x1A200] =	vst v63  }
0x10a: {  	_ =	swait.ge [sflag:s0], $0x2800  }
0x10b: {  	[sflag:s0] =	ssyncset.done $0x0  }
0x10c: {  	[sflag:s0] =	ssyncadd.s32 $0xFFFFD800  }
0x10d: {  	[tilespmem:s25], [sflag:$0x6] =	stream.linear.gather [hbm4b:s15+s3], $0x50, $0x38;
	[tilespmem:$0x1A200] =	vst v63  }
0x10e: {  	_ =	swait.ge [sflag:s26], $0x2800  }
0x10f: {  	[sflag:s26] =	ssyncset.done $0x0  }
0x110: {  	[sflag:s26] =	ssyncadd.s32 $0xFFFFD800  }
0x111: {  	[tilespmem:s3], [sflag:$0x5] =	stream.linear.gather [hbm4b:s19+s3], $0x50, $0x38;
	[tilespmem:$0x1A200] =	vst v63  }
0x112: {  	_ = 	snop  }
0x113: {  	[spmem:s1] =	stream.indirect.scatter.add.f32 [tilespmem:s20], [sflag:$0x3], $0x80, s16, s18, $0xb8;
	[tilespmem:$0x1A200] =	vst v63  }
0x114: {  	_ =	swait.ge [sflag:s28], $0x50  }
0x115: {  	[sflag:s28] =	ssyncset.done $0x0  }
0x116: {  	[sflag:s28] =	ssyncadd.s32 $0xFFFFFFB0  }
0x117: {  	_ =	swait.ge [sflag:s28], $0x50  }
0x118: {  	[sflag:s28] =	ssyncset.done $0x0  }
0x119: {  	[sflag:s28] =	ssyncadd.s32 $0xFFFFFFB0  }
0x11a: {  	[tilespmem:s29], [sflag:$0x2] =	stream.indirect.gather [hbm4b:s4+s18], $0x80, s17, s18, $0xb8;
	[tilespmem:$0x1A200] =	vst v63  }
0x11b: {  	_ =	swait.ge [sflag:s30], $0x2800  }
0x11c: {  	[sflag:s30] =	ssyncset.done $0x0  }
0x11d: {  	s9 =	rddreg [dreg:$0xf];
	[sflag:s30] =	ssyncadd.s32 $0xFFFFD800  }
0x11e: {  	[tilespmem:s16], [sflag:$0x5] =	stream.linear.gather [hbm4b:s9+s3], $0x50, $0x38;
	[tilespmem:$0x1A200] =	vst v63  }
0x11f: {  	_ =	swait.ge [sflag:s31], $0x2800  }
0x120: {  	[sflag:s31] =	ssyncset.done $0x0  }
0x121: {  	[sflag:s31] =	ssyncadd.s32 $0xFFFFD800  }
0x122: {  	[tilespmem:s17], [sflag:$0x6] =	stream.linear.gather [hbm4b:s19+s3], $0x50, $0x38;
	[tilespmem:$0x1A200] =	vst v63  }
0x123: {  	_ = 	snop  }
0x124: {  	[spmem:s1] =	stream.indirect.scatter.add.f32 [tilespmem:s29], [sflag:$0x4], $0x80, s25, s18, $0xb8;
	[tilespmem:$0x1A200] =	vst v63  }
0x125: {  	_ =	swait.ge [sflag:s7], $0x50  }
0x126: {  	[sflag:s7] =	ssyncset.done $0x0  }
0x127: {  	[sflag:s7] =	ssyncadd.s32 $0xFFFFFFB0  }
0x128: {  	_ =	swait.ge [sflag:s7], $0x50  }
0x129: {  	[sflag:s7] =	ssyncset.done $0x0  }
0x12a: {  	[sflag:s7] =	ssyncadd.s32 $0xFFFFFFB0  }
0x12b: {  	[tilespmem:s20], [sflag:$0x1] =	stream.indirect.gather [hbm4b:s4+s18], $0x80, s3, s18, $0xb8;
	[tilespmem:$0x1A200] =	vst v63  }
0x12c: {  	_ =	swait.ge [sflag:s0], $0x2800  }
0x12d: {  	[sflag:s0] =	ssyncset.done $0x0  }
0x12e: {  	[sflag:s0] =	ssyncadd.s32 $0xFFFFD800  }
0x12f: {  	_ =	swait.ge [sflag:s28], $0x50  }
0x130: {  	[sflag:s28] =	ssyncset.done $0x0  }
0x131: {  	[sflag:s28] =	ssyncadd.s32 $0xFFFFFFB0  }
0x132: {  	_ =	swait.ge [sflag:s26], $0x2800  }
0x133: {  	[sflag:s26] =	ssyncset.done $0x0  }
0x134: {  	[sflag:s26] =	ssyncadd.s32 $0xFFFFD800  }
0x135: {  	[spmem:s1] =	stream.indirect.scatter.add.f32 [tilespmem:s20], [sflag:$0x7], $0x80, s16, s18, $0xb8;
	[tilespmem:$0x1A200] =	vst v63  }
0x136: {  	_ =	swait.ge [sflag:s2], $0x2800  }
0x137: {  	[sflag:s2] =	ssyncset.done $0x0  }
0x138: {  	s11 =	stileid.u32;
	[sflag:s2] =	ssyncadd.s32 $0xFFFFD800  }
0x139: {  	s9 =	sshll.u32 s11, $0x6;
	[bflag:$0x0] =	sbarrier.arrive $0xFFFF  }
0x13a: {  	s10 =	sshrl.u32 s5, $0x3;
	s9 =	sor.u32 $0x1C07, s9;
	s11 =	rddreg [dreg:$0x5]  }
0x13b: {  	[hbm:s11], [sflag:s9] =	dma.local [spmem:s10], $0x2800  }
0x13c: {  	_ =	swait.ge [sflag:s2], $0x2800  }
0x13d: {  	s8 =	sadd.s32 $0x1, s8;
	s12 =	rddreg [dreg:$0x6]  }
0x13e: {  	p0 =	sne.s32 s8, s12  }
.Ltmp2:
0x13f: {  	_ = 	snop;
	(pc) =	sbr.rel @p0 .LBB2_1-.Ltmp2, $3  }
0x140: {  	_ =	sdelay $0x1  }
0x141: {  	[sflag:s2] =	ssyncset.done $0x0  }
0x142: {  	[sflag:s2] =	ssyncadd.s32 $0xFFFFD800  }
0x143: {  	_ =	sfence.sel $0x180000  }
0x144: {  	[bflag:$0x0] =	sbarrier.arrive $0xFFFF  }
0x145: {  	_ =	strace $0x90000047  }
0x146: {  	s0 =	stileid.u32;
	[bflag:$0x2] =	sbarrier.arrive $0xFFFF  }
0x147: {  	p0 =	sne.s32 s0, $0x0;
	s0 =	rddreg [dreg:$0x3]  }
0x148: {  	s0 =	sadd.s32 @!p0 $0x100000, s0  }
0x149: {  	[sflag:s0] =	ssyncadd.tile.s32 @!p0 $0x1;
	_ =	shalt  }
.Lfunc_end2:
_tile_overlayer_lowered:
.L_overlay_start_2:
0x14a: {  	(tag) =	ssettag $0x2  }
0x14b: {  	s0 =	rddreg [dreg:$0x0];
	s2 =	stileid.u32  }
0x14c: {  	s1 =	rddreg [dreg:$0x1];
	p0 =	sne.s32 s2, $0x0  }
0x14d: {  	s3 =	rddreg [dreg:$0x2];
	[bflag:$0x3] =	sbarrier.arrive $0xFFFF;
	s2 =	simm.s32 @!p0 $0x1C07  }
0x14e: {  	[timem:s3], [sflag:s2] =	dma.local @!p0 [hbm:s0], s1  }
0x14f: {  	s0 =	simm.s32 @!p0 $0x7  }
0x150: {  	_ =	swait.ge @!p0 [sflag:s0], s1  }
0x151: {  	s1 =	ssub.s32 @!p0 $0x0, s1;
	[sflag:s0] =	ssyncset.done @!p0 $0x0  }
0x152: {  	[sflag:s0] =	ssyncadd.s32 @!p0 s1  }
0x153: {  	[bflag:$0x3] =	sbarrier.arrive $0xFFFF  }
0x154: {  	_ =	shalt  }

</sc_bundles>
